<compile_context>
chip_gen: v7x
topology: tpu7x:2x2x1
jax: 0.10.2.dev20260603
libtpu: 0.0.44.dev20260713+nightly
codegen_flags: <defaults>
</compile_context>

<pallas_src>
import functools

import jax
import jax.numpy as jnp
from jax import lax
from jax.experimental import pallas as pl
from jax.experimental.pallas import tpu as pltpu
from jax.experimental.pallas import tpu_sc as plsc

_B = 16384
_D = 64
_NNEG = 20
_DOTS = _NNEG + 1
_NC = 2
_NS = 16
_NW = _NC * _NS
_BPW = _B // _NW
_G = 32
_NCHUNK = _BPW // _G
_LANES = 16


def _sc_scores(target, context, negatives_flat, target_table, context_table):
    mesh = plsc.VectorSubcoreMesh(core_axis_name="c", subcore_axis_name="s")

    @functools.partial(
        pl.kernel,
        mesh=mesh,
        compiler_params=pltpu.CompilerParams(use_tc_tiling_on_sc=False),
        out_type=jax.ShapeDtypeStruct((_B * _DOTS * _LANES,), jnp.float32),
        scratch_types=[
            pltpu.VMEM((_G,), jnp.int32),
            pltpu.VMEM((_G,), jnp.int32),
            pltpu.VMEM((_G * _NNEG,), jnp.int32),
            pltpu.VMEM((_G, _D), jnp.float32),
            pltpu.VMEM((_G, _D), jnp.float32),
            pltpu.VMEM((_G * _NNEG, _D), jnp.float32),
            pltpu.VMEM((_G * _DOTS * _LANES,), jnp.float32),
            pltpu.SemaphoreType.DMA,
        ],
    )
    def k(tgt_hbm, ctx_hbm, neg_hbm, ttab, ctab, out_hbm,
          tidx, cidx, nidx, trows, crows, nrows, obuf, sem):
        wid = lax.axis_index("s") * _NC + lax.axis_index("c")
        base = wid * _BPW

        def chunk_body(g, carry):
            rb = base + g * _G
            h1 = pltpu.async_copy(tgt_hbm.at[pl.ds(rb, _G)], tidx, sem)
            h2 = pltpu.async_copy(ctx_hbm.at[pl.ds(rb, _G)], cidx, sem)
            h3 = pltpu.async_copy(
                neg_hbm.at[pl.ds(rb * _NNEG, _G * _NNEG)], nidx, sem)
            h1.wait()
            h2.wait()
            h3.wait()
            g1 = pltpu.async_copy(ttab.at[tidx], trows, sem)
            g2 = pltpu.async_copy(ctab.at[cidx], crows, sem)
            gn = [
                pltpu.async_copy(
                    ctab.at[nidx.at[pl.ds(j * 128, 128)]],
                    nrows.at[pl.ds(j * 128, 128)], sem)
                for j in range(_G * _NNEG // 128)
            ]
            g1.wait()
            g2.wait()
            for h in gn:
                h.wait()

            def row_body(r, c2):
                t0 = trows[r, pl.ds(0, 16)]
                t1 = trows[r, pl.ds(16, 16)]
                t2 = trows[r, pl.ds(32, 16)]
                t3 = trows[r, pl.ds(48, 16)]
                p = (t0 * crows[r, pl.ds(0, 16)]
                     + t1 * crows[r, pl.ds(16, 16)]
                     + t2 * crows[r, pl.ds(32, 16)]
                     + t3 * crows[r, pl.ds(48, 16)])
                ob = r * (_DOTS * _LANES)
                obuf[pl.ds(ob, 16)] = p
                for n in range(_NNEG):
                    m = r * _NNEG + n
                    q = (t0 * nrows[m, pl.ds(0, 16)]
                         + t1 * nrows[m, pl.ds(16, 16)]
                         + t2 * nrows[m, pl.ds(32, 16)]
                         + t3 * nrows[m, pl.ds(48, 16)])
                    obuf[pl.ds(ob + (n + 1) * 16, 16)] = q
                return c2

            lax.fori_loop(0, _G, row_body, 0)
            pltpu.sync_copy(
                obuf,
                out_hbm.at[pl.ds(rb * _DOTS * _LANES, _G * _DOTS * _LANES)])
            return carry

        lax.fori_loop(0, _NCHUNK, chunk_body, 0)

    return k(target, context, negatives_flat, target_table, context_table)


_BM = 2048


def _tc_loss(partials):

    def body(p_ref, out_ref):
        i = pl.program_id(0)
        x = p_ref[...]
        k_iota = lax.broadcasted_iota(jnp.int32, (_DOTS * _LANES, 128), 0)
        n_iota = lax.broadcasted_iota(jnp.int32, (_DOTS * _LANES, 128), 1)
        m = ((k_iota // _LANES) == n_iota).astype(jnp.float32)
        s = jnp.dot(x, m, preferred_element_type=jnp.float32)
        col = lax.broadcasted_iota(jnp.int32, (_BM, 128), 1)
        signed = jnp.where(col == 0, s, -s)
        l = jnp.log(jax.nn.sigmoid(signed) + 1e-10)
        l = jnp.where(col < _DOTS, l, 0.0)
        part = jnp.sum(l)

        @pl.when(i == 0)
        def _():
            out_ref[0, 0] = 0.0

        out_ref[0, 0] += part

        @pl.when(i == pl.num_programs(0) - 1)
        def _():
            out_ref[0, 0] = out_ref[0, 0] * (-1.0 / _B)

    return pl.pallas_call(
        body,
        grid=(_B // _BM,),
        in_specs=[pl.BlockSpec((_BM, _DOTS * _LANES), lambda i: (i, 0))],
        out_specs=pl.BlockSpec(memory_space=pltpu.SMEM),
        out_shape=jax.ShapeDtypeStruct((1, 1), jnp.float32),
    )(partials)


def kernel(target, context, negatives, target_table, context_table):
    scores = _sc_scores(
        target.astype(jnp.int32),
        context.astype(jnp.int32),
        negatives.reshape(-1).astype(jnp.int32),
        target_table, context_table)
    loss = _tc_loss(scores.reshape(_B, _DOTS * _LANES))
    return loss[0, 0]

# --- scband reference (transcript-rebuilt; emitter-appended) ---
"""Pipeline reference for scband-word2-vec-24953759989940 (READ-ONLY COPY).

The authoritative reference and input builder live on the scoring server;
editing this copy changes nothing except your own understanding.
"""

import jax, jax.numpy as jnp
import numpy as np

VOCAB = 1000000
DIM = 64
BATCH = 16384
N_NEG = 20

def setup_inputs(seed: int = 0) -> dict:
    key = jax.random.key(seed)
    k1, k2, k3, k4, k5 = jax.random.split(key, 5)
    target = jax.random.randint(k1, (BATCH,), 0, VOCAB)
    context = jax.random.randint(k2, (BATCH, ), 0, VOCAB)
    negatives = jax.random.randint(k3, (BATCH, N_NEG), 0, VOCAB)
    # target table init: uniform(-0.5/dim, 0.5/dim) per original module
    target_table = jax.random.uniform(k4, (VOCAB, DIM), dtype=jnp.float32, minval=-0.5 / DIM, maxval=0.5 / DIM)
    # original inits context table to zeros (degenerate loss); use small random values for a meaningful reference
    context_table = jax.random.normal(k5, (VOCAB, DIM), dtype=jnp.float32) * (0.5 / DIM)
    return {"target": target, "context": context, "negatives": negatives, "target_table": target_table, "context_table": context_table}

def reference(target, context, negatives, target_table, context_table):
    target_emb = jnp.take(target_table, target, axis=0)            # [B, D] gather
    context_emb = jnp.take(context_table, context, axis=0)         # [B, D] gather
    pos_score = jnp.sum(target_emb * context_emb, axis=1)          # [B]
    pos_loss = jnp.log(jax.nn.sigmoid(pos_score) + 1e-10)
    neg_emb = jnp.take(context_table, negatives, axis=0)           # [B, N, D] gather
    neg_score = jnp.einsum('bnd,bd->bn', neg_emb, target_emb)      # bmm(neg_emb, target_emb[...,None]).squeeze()
    neg_loss = jnp.sum(jnp.log(jax.nn.sigmoid(-neg_score) + 1e-10), axis=1)
    return -jnp.mean(pos_loss + neg_loss)

if __name__ == "__main__":
    import jax
    _d = setup_inputs()
    print(jax.jit(kernel)(*tuple(_d.values())))

</pallas_src>

<mosaic_0001>
#map = affine_map<(d0, d1) -> (0)>
#map1 = affine_map<(d0, d1) -> (0, 0)>
module attributes {stable_mosaic.version = 14 : i64} {
  func.func @k(%arg0: i32, %arg1: i32, %arg2: memref<16384xi32, #tpu.memory_space<hbm>>, %arg3: memref<16384xi32, #tpu.memory_space<hbm>>, %arg4: memref<327680xi32, #tpu.memory_space<hbm>>, %arg5: memref<1000000x64xf32, #tpu.memory_space<hbm>>, %arg6: memref<1000000x64xf32, #tpu.memory_space<hbm>>, %arg7: memref<5505024xf32, #tpu.memory_space<hbm>>, %arg8: memref<32xi32, #tpu.memory_space<vmem>>, %arg9: memref<32xi32, #tpu.memory_space<vmem>>, %arg10: memref<640xi32, #tpu.memory_space<vmem>>, %arg11: memref<32x64xf32, #tpu.memory_space<vmem>>, %arg12: memref<32x64xf32, #tpu.memory_space<vmem>>, %arg13: memref<640x64xf32, #tpu.memory_space<vmem>>, %arg14: memref<10752xf32, #tpu.memory_space<vmem>>, %arg15: memref<!tpu.dma_semaphore, #tpu.memory_space<semaphore_mem>>) attributes {dimension_semantics = [#tpu.dimension_semantics<core_parallel>, #tpu.dimension_semantics<subcore_parallel>], iteration_bounds = array<i64: 2, 16>, scalar_prefetch = 0 : i64, scratch_operands = 8 : i64, tpu.core_type = #tpu.core_type<sc_vector_subcore>, window_params = [{transform_indices = #map}, {transform_indices = #map}, {transform_indices = #map}, {transform_indices = #map1}, {transform_indices = #map1}, {transform_indices = #map}]} {
    %mul3A = arith.constant 2 : i32
    %mul3A_0 = arith.muli %arg1, %mul3A : i32
    %add3A = arith.addi %mul3A_0, %arg0 : i32
    %mul3A_1 = arith.constant 512 : i32
    %mul3A_2 = arith.muli %add3A, %mul3A_1 : i32
    %scan3A = arith.constant 0 : i32
    %scan3A_3 = arith.constant 0 : i32
    %scan3A_4 = arith.constant 16 : i32
    %scan3A_5 = arith.addi %scan3A_3, %scan3A_4 : i32
    %scan3A_6 = arith.constant 1 : i32
    scf.for %scan3A_8 = %scan3A_3 to %scan3A_5 step %scan3A_6  : i32 {
      %mul3A_9 = arith.constant 32 : i32
      %mul3A_10 = arith.muli %scan3A_8, %mul3A_9 : i32
      %add3A_11 = arith.addi %mul3A_2, %mul3A_10 : i32
      %dma_start3A = tpu.memref_slice %arg2[%add3A_11] : memref<16384xi32, #tpu.memory_space<hbm>> -> memref<32xi32, #tpu.memory_space<hbm>>
      %dma_start3A_12 = tpu.memref_slice %arg2[%add3A_11] : memref<16384xi32, #tpu.memory_space<hbm>> -> memref<32xi32, #tpu.memory_space<hbm>>
      tpu.enqueue_dma source(%dma_start3A_12 : memref<32xi32, #tpu.memory_space<hbm>>) target(%arg8 : memref<32xi32, #tpu.memory_space<vmem>>) target_semaphore(%arg15 : memref<!tpu.dma_semaphore, #tpu.memory_space<semaphore_mem>>)
      %dma_start3A_13 = tpu.memref_slice %arg3[%add3A_11] : memref<16384xi32, #tpu.memory_space<hbm>> -> memref<32xi32, #tpu.memory_space<hbm>>
      %dma_start3A_14 = tpu.memref_slice %arg3[%add3A_11] : memref<16384xi32, #tpu.memory_space<hbm>> -> memref<32xi32, #tpu.memory_space<hbm>>
      tpu.enqueue_dma source(%dma_start3A_14 : memref<32xi32, #tpu.memory_space<hbm>>) target(%arg9 : memref<32xi32, #tpu.memory_space<vmem>>) target_semaphore(%arg15 : memref<!tpu.dma_semaphore, #tpu.memory_space<semaphore_mem>>)
      %mul3A_15 = arith.constant 20 : i32
      %mul3A_16 = arith.muli %add3A_11, %mul3A_15 : i32
      %dma_start3A_17 = tpu.memref_slice %arg4[%mul3A_16] : memref<327680xi32, #tpu.memory_space<hbm>> -> memref<640xi32, #tpu.memory_space<hbm>>
      %dma_start3A_18 = tpu.memref_slice %arg4[%mul3A_16] : memref<327680xi32, #tpu.memory_space<hbm>> -> memref<640xi32, #tpu.memory_space<hbm>>
      tpu.enqueue_dma source(%dma_start3A_18 : memref<640xi32, #tpu.memory_space<hbm>>) target(%arg10 : memref<640xi32, #tpu.memory_space<vmem>>) target_semaphore(%arg15 : memref<!tpu.dma_semaphore, #tpu.memory_space<semaphore_mem>>)
      %dma_wait3A = tpu.memref_slice %arg2[%add3A_11] : memref<16384xi32, #tpu.memory_space<hbm>> -> memref<32xi32, #tpu.memory_space<hbm>>
      %dma_wait3A_19 = tpu.memref_slice %arg2[%add3A_11] : memref<16384xi32, #tpu.memory_space<hbm>> -> memref<32xi32, #tpu.memory_space<hbm>>
      tpu.wait_dma2 semaphore(%arg15 : memref<!tpu.dma_semaphore, #tpu.memory_space<semaphore_mem>>) src(%dma_wait3A_19 : memref<32xi32, #tpu.memory_space<hbm>>) dst(%arg8 : memref<32xi32, #tpu.memory_space<vmem>>)
      %dma_wait3A_20 = tpu.memref_slice %arg3[%add3A_11] : memref<16384xi32, #tpu.memory_space<hbm>> -> memref<32xi32, #tpu.memory_space<hbm>>
      %dma_wait3A_21 = tpu.memref_slice %arg3[%add3A_11] : memref<16384xi32, #tpu.memory_space<hbm>> -> memref<32xi32, #tpu.memory_space<hbm>>
      tpu.wait_dma2 semaphore(%arg15 : memref<!tpu.dma_semaphore, #tpu.memory_space<semaphore_mem>>) src(%dma_wait3A_21 : memref<32xi32, #tpu.memory_space<hbm>>) dst(%arg9 : memref<32xi32, #tpu.memory_space<vmem>>)
      %dma_wait3A_22 = tpu.memref_slice %arg4[%mul3A_16] : memref<327680xi32, #tpu.memory_space<hbm>> -> memref<640xi32, #tpu.memory_space<hbm>>
      %dma_wait3A_23 = tpu.memref_slice %arg4[%mul3A_16] : memref<327680xi32, #tpu.memory_space<hbm>> -> memref<640xi32, #tpu.memory_space<hbm>>
      tpu.wait_dma2 semaphore(%arg15 : memref<!tpu.dma_semaphore, #tpu.memory_space<semaphore_mem>>) src(%dma_wait3A_23 : memref<640xi32, #tpu.memory_space<hbm>>) dst(%arg10 : memref<640xi32, #tpu.memory_space<vmem>>)
      %dma_start3A_24 = arith.constant 0 : i32
      %dma_start3A_25 = arith.constant 0 : i32
      %dma_start3A_26 = tpu.memref_slice %arg5[%dma_start3A_24, %dma_start3A_25] : memref<1000000x64xf32, #tpu.memory_space<hbm>> -> memref<1000000x64xf32, #tpu.memory_space<hbm>>
      tpu.enqueue_indirect_dma source(%dma_start3A_26 : memref<1000000x64xf32, #tpu.memory_space<hbm>>) target(%arg11 : memref<32x64xf32, #tpu.memory_space<vmem>>) offsets(%arg8 : memref<32xi32, #tpu.memory_space<vmem>>) semaphore(%arg15 : memref<!tpu.dma_semaphore, #tpu.memory_space<semaphore_mem>>)
      %dma_start3A_27 = arith.constant 0 : i32
      %dma_start3A_28 = arith.constant 0 : i32
      %dma_start3A_29 = tpu.memref_slice %arg6[%dma_start3A_27, %dma_start3A_28] : memref<1000000x64xf32, #tpu.memory_space<hbm>> -> memref<1000000x64xf32, #tpu.memory_space<hbm>>
      tpu.enqueue_indirect_dma source(%dma_start3A_29 : memref<1000000x64xf32, #tpu.memory_space<hbm>>) target(%arg12 : memref<32x64xf32, #tpu.memory_space<vmem>>) offsets(%arg9 : memref<32xi32, #tpu.memory_space<vmem>>) semaphore(%arg15 : memref<!tpu.dma_semaphore, #tpu.memory_space<semaphore_mem>>)
      %dma_start3A_30 = arith.constant 0 : i32
      %dma_start3A_31 = arith.constant 0 : i32
      %dma_start3A_32 = tpu.memref_slice %arg13[%dma_start3A_30, %dma_start3A_31] : memref<640x64xf32, #tpu.memory_space<vmem>> -> memref<128x64xf32, #tpu.memory_space<vmem>>
      %dma_start3A_33 = arith.constant 0 : i32
      %dma_start3A_34 = tpu.memref_slice %arg10[%dma_start3A_33] : memref<640xi32, #tpu.memory_space<vmem>> -> memref<128xi32, #tpu.memory_space<vmem>>
      %dma_start3A_35 = arith.constant 0 : i32
      %dma_start3A_36 = arith.constant 0 : i32
      %dma_start3A_37 = tpu.memref_slice %arg6[%dma_start3A_35, %dma_start3A_36] : memref<1000000x64xf32, #tpu.memory_space<hbm>> -> memref<1000000x64xf32, #tpu.memory_space<hbm>>
      tpu.enqueue_indirect_dma source(%dma_start3A_37 : memref<1000000x64xf32, #tpu.memory_space<hbm>>) target(%dma_start3A_32 : memref<128x64xf32, #tpu.memory_space<vmem>>) offsets(%dma_start3A_34 : memref<128xi32, #tpu.memory_space<vmem>>) semaphore(%arg15 : memref<!tpu.dma_semaphore, #tpu.memory_space<semaphore_mem>>)
      %dma_start3A_38 = arith.constant 128 : i32
      %dma_start3A_39 = arith.constant 0 : i32
      %dma_start3A_40 = tpu.memref_slice %arg13[%dma_start3A_38, %dma_start3A_39] : memref<640x64xf32, #tpu.memory_space<vmem>> -> memref<128x64xf32, #tpu.memory_space<vmem>>
      %dma_start3A_41 = arith.constant 128 : i32
      %dma_start3A_42 = tpu.memref_slice %arg10[%dma_start3A_41] : memref<640xi32, #tpu.memory_space<vmem>> -> memref<128xi32, #tpu.memory_space<vmem>>
      %dma_start3A_43 = arith.constant 0 : i32
      %dma_start3A_44 = arith.constant 0 : i32
      %dma_start3A_45 = tpu.memref_slice %arg6[%dma_start3A_43, %dma_start3A_44] : memref<1000000x64xf32, #tpu.memory_space<hbm>> -> memref<1000000x64xf32, #tpu.memory_space<hbm>>
      tpu.enqueue_indirect_dma source(%dma_start3A_45 : memref<1000000x64xf32, #tpu.memory_space<hbm>>) target(%dma_start3A_40 : memref<128x64xf32, #tpu.memory_space<vmem>>) offsets(%dma_start3A_42 : memref<128xi32, #tpu.memory_space<vmem>>) semaphore(%arg15 : memref<!tpu.dma_semaphore, #tpu.memory_space<semaphore_mem>>)
      %dma_start3A_46 = arith.constant 256 : i32
      %dma_start3A_47 = arith.constant 0 : i32
      %dma_start3A_48 = tpu.memref_slice %arg13[%dma_start3A_46, %dma_start3A_47] : memref<640x64xf32, #tpu.memory_space<vmem>> -> memref<128x64xf32, #tpu.memory_space<vmem>>
      %dma_start3A_49 = arith.constant 256 : i32
      %dma_start3A_50 = tpu.memref_slice %arg10[%dma_start3A_49] : memref<640xi32, #tpu.memory_space<vmem>> -> memref<128xi32, #tpu.memory_space<vmem>>
      %dma_start3A_51 = arith.constant 0 : i32
      %dma_start3A_52 = arith.constant 0 : i32
      %dma_start3A_53 = tpu.memref_slice %arg6[%dma_start3A_51, %dma_start3A_52] : memref<1000000x64xf32, #tpu.memory_space<hbm>> -> memref<1000000x64xf32, #tpu.memory_space<hbm>>
      tpu.enqueue_indirect_dma source(%dma_start3A_53 : memref<1000000x64xf32, #tpu.memory_space<hbm>>) target(%dma_start3A_48 : memref<128x64xf32, #tpu.memory_space<vmem>>) offsets(%dma_start3A_50 : memref<128xi32, #tpu.memory_space<vmem>>) semaphore(%arg15 : memref<!tpu.dma_semaphore, #tpu.memory_space<semaphore_mem>>)
      %dma_start3A_54 = arith.constant 384 : i32
      %dma_start3A_55 = arith.constant 0 : i32
      %dma_start3A_56 = tpu.memref_slice %arg13[%dma_start3A_54, %dma_start3A_55] : memref<640x64xf32, #tpu.memory_space<vmem>> -> memref<128x64xf32, #tpu.memory_space<vmem>>
      %dma_start3A_57 = arith.constant 384 : i32
      %dma_start3A_58 = tpu.memref_slice %arg10[%dma_start3A_57] : memref<640xi32, #tpu.memory_space<vmem>> -> memref<128xi32, #tpu.memory_space<vmem>>
      %dma_start3A_59 = arith.constant 0 : i32
      %dma_start3A_60 = arith.constant 0 : i32
      %dma_start3A_61 = tpu.memref_slice %arg6[%dma_start3A_59, %dma_start3A_60] : memref<1000000x64xf32, #tpu.memory_space<hbm>> -> memref<1000000x64xf32, #tpu.memory_space<hbm>>
      tpu.enqueue_indirect_dma source(%dma_start3A_61 : memref<1000000x64xf32, #tpu.memory_space<hbm>>) target(%dma_start3A_56 : memref<128x64xf32, #tpu.memory_space<vmem>>) offsets(%dma_start3A_58 : memref<128xi32, #tpu.memory_space<vmem>>) semaphore(%arg15 : memref<!tpu.dma_semaphore, #tpu.memory_space<semaphore_mem>>)
      %dma_start3A_62 = arith.constant 512 : i32
      %dma_start3A_63 = arith.constant 0 : i32
      %dma_start3A_64 = tpu.memref_slice %arg13[%dma_start3A_62, %dma_start3A_63] : memref<640x64xf32, #tpu.memory_space<vmem>> -> memref<128x64xf32, #tpu.memory_space<vmem>>
      %dma_start3A_65 = arith.constant 512 : i32
      %dma_start3A_66 = tpu.memref_slice %arg10[%dma_start3A_65] : memref<640xi32, #tpu.memory_space<vmem>> -> memref<128xi32, #tpu.memory_space<vmem>>
      %dma_start3A_67 = arith.constant 0 : i32
      %dma_start3A_68 = arith.constant 0 : i32
      %dma_start3A_69 = tpu.memref_slice %arg6[%dma_start3A_67, %dma_start3A_68] : memref<1000000x64xf32, #tpu.memory_space<hbm>> -> memref<1000000x64xf32, #tpu.memory_space<hbm>>
      tpu.enqueue_indirect_dma source(%dma_start3A_69 : memref<1000000x64xf32, #tpu.memory_space<hbm>>) target(%dma_start3A_64 : memref<128x64xf32, #tpu.memory_space<vmem>>) offsets(%dma_start3A_66 : memref<128xi32, #tpu.memory_space<vmem>>) semaphore(%arg15 : memref<!tpu.dma_semaphore, #tpu.memory_space<semaphore_mem>>)
      %dma_wait3A_70 = arith.constant 0 : i32
      %dma_wait3A_71 = arith.constant 0 : i32
      %dma_wait3A_72 = tpu.memref_slice %arg5[%dma_wait3A_70, %dma_wait3A_71] : memref<1000000x64xf32, #tpu.memory_space<hbm>> -> memref<1000000x64xf32, #tpu.memory_space<hbm>>
      tpu.wait_indirect_dma semaphore(%arg15 : memref<!tpu.dma_semaphore, #tpu.memory_space<semaphore_mem>>) src(%dma_wait3A_72 : memref<1000000x64xf32, #tpu.memory_space<hbm>>) dst(%arg11 : memref<32x64xf32, #tpu.memory_space<vmem>>)
      %dma_wait3A_73 = arith.constant 0 : i32
      %dma_wait3A_74 = arith.constant 0 : i32
      %dma_wait3A_75 = tpu.memref_slice %arg6[%dma_wait3A_73, %dma_wait3A_74] : memref<1000000x64xf32, #tpu.memory_space<hbm>> -> memref<1000000x64xf32, #tpu.memory_space<hbm>>
      tpu.wait_indirect_dma semaphore(%arg15 : memref<!tpu.dma_semaphore, #tpu.memory_space<semaphore_mem>>) src(%dma_wait3A_75 : memref<1000000x64xf32, #tpu.memory_space<hbm>>) dst(%arg12 : memref<32x64xf32, #tpu.memory_space<vmem>>)
      %dma_wait3A_76 = arith.constant 0 : i32
      %dma_wait3A_77 = arith.constant 0 : i32
      %dma_wait3A_78 = tpu.memref_slice %arg13[%dma_wait3A_76, %dma_wait3A_77] : memref<640x64xf32, #tpu.memory_space<vmem>> -> memref<128x64xf32, #tpu.memory_space<vmem>>
      %dma_wait3A_79 = arith.constant 0 : i32
      %dma_wait3A_80 = tpu.memref_slice %arg10[%dma_wait3A_79] : memref<640xi32, #tpu.memory_space<vmem>> -> memref<128xi32, #tpu.memory_space<vmem>>
      %dma_wait3A_81 = arith.constant 0 : i32
      %dma_wait3A_82 = arith.constant 0 : i32
      %dma_wait3A_83 = tpu.memref_slice %arg6[%dma_wait3A_81, %dma_wait3A_82] : memref<1000000x64xf32, #tpu.memory_space<hbm>> -> memref<1000000x64xf32, #tpu.memory_space<hbm>>
      tpu.wait_indirect_dma semaphore(%arg15 : memref<!tpu.dma_semaphore, #tpu.memory_space<semaphore_mem>>) src(%dma_wait3A_83 : memref<1000000x64xf32, #tpu.memory_space<hbm>>) dst(%dma_wait3A_78 : memref<128x64xf32, #tpu.memory_space<vmem>>)
      %dma_wait3A_84 = arith.constant 128 : i32
      %dma_wait3A_85 = arith.constant 0 : i32
      %dma_wait3A_86 = tpu.memref_slice %arg13[%dma_wait3A_84, %dma_wait3A_85] : memref<640x64xf32, #tpu.memory_space<vmem>> -> memref<128x64xf32, #tpu.memory_space<vmem>>
      %dma_wait3A_87 = arith.constant 128 : i32
      %dma_wait3A_88 = tpu.memref_slice %arg10[%dma_wait3A_87] : memref<640xi32, #tpu.memory_space<vmem>> -> memref<128xi32, #tpu.memory_space<vmem>>
      %dma_wait3A_89 = arith.constant 0 : i32
      %dma_wait3A_90 = arith.constant 0 : i32
      %dma_wait3A_91 = tpu.memref_slice %arg6[%dma_wait3A_89, %dma_wait3A_90] : memref<1000000x64xf32, #tpu.memory_space<hbm>> -> memref<1000000x64xf32, #tpu.memory_space<hbm>>
      tpu.wait_indirect_dma semaphore(%arg15 : memref<!tpu.dma_semaphore, #tpu.memory_space<semaphore_mem>>) src(%dma_wait3A_91 : memref<1000000x64xf32, #tpu.memory_space<hbm>>) dst(%dma_wait3A_86 : memref<128x64xf32, #tpu.memory_space<vmem>>)
      %dma_wait3A_92 = arith.constant 256 : i32
      %dma_wait3A_93 = arith.constant 0 : i32
      %dma_wait3A_94 = tpu.memref_slice %arg13[%dma_wait3A_92, %dma_wait3A_93] : memref<640x64xf32, #tpu.memory_space<vmem>> -> memref<128x64xf32, #tpu.memory_space<vmem>>
      %dma_wait3A_95 = arith.constant 256 : i32
      %dma_wait3A_96 = tpu.memref_slice %arg10[%dma_wait3A_95] : memref<640xi32, #tpu.memory_space<vmem>> -> memref<128xi32, #tpu.memory_space<vmem>>
      %dma_wait3A_97 = arith.constant 0 : i32
      %dma_wait3A_98 = arith.constant 0 : i32
      %dma_wait3A_99 = tpu.memref_slice %arg6[%dma_wait3A_97, %dma_wait3A_98] : memref<1000000x64xf32, #tpu.memory_space<hbm>> -> memref<1000000x64xf32, #tpu.memory_space<hbm>>
      tpu.wait_indirect_dma semaphore(%arg15 : memref<!tpu.dma_semaphore, #tpu.memory_space<semaphore_mem>>) src(%dma_wait3A_99 : memref<1000000x64xf32, #tpu.memory_space<hbm>>) dst(%dma_wait3A_94 : memref<128x64xf32, #tpu.memory_space<vmem>>)
      %dma_wait3A_100 = arith.constant 384 : i32
      %dma_wait3A_101 = arith.constant 0 : i32
      %dma_wait3A_102 = tpu.memref_slice %arg13[%dma_wait3A_100, %dma_wait3A_101] : memref<640x64xf32, #tpu.memory_space<vmem>> -> memref<128x64xf32, #tpu.memory_space<vmem>>
      %dma_wait3A_103 = arith.constant 384 : i32
      %dma_wait3A_104 = tpu.memref_slice %arg10[%dma_wait3A_103] : memref<640xi32, #tpu.memory_space<vmem>> -> memref<128xi32, #tpu.memory_space<vmem>>
      %dma_wait3A_105 = arith.constant 0 : i32
      %dma_wait3A_106 = arith.constant 0 : i32
      %dma_wait3A_107 = tpu.memref_slice %arg6[%dma_wait3A_105, %dma_wait3A_106] : memref<1000000x64xf32, #tpu.memory_space<hbm>> -> memref<1000000x64xf32, #tpu.memory_space<hbm>>
      tpu.wait_indirect_dma semaphore(%arg15 : memref<!tpu.dma_semaphore, #tpu.memory_space<semaphore_mem>>) src(%dma_wait3A_107 : memref<1000000x64xf32, #tpu.memory_space<hbm>>) dst(%dma_wait3A_102 : memref<128x64xf32, #tpu.memory_space<vmem>>)
      %dma_wait3A_108 = arith.constant 512 : i32
      %dma_wait3A_109 = arith.constant 0 : i32
      %dma_wait3A_110 = tpu.memref_slice %arg13[%dma_wait3A_108, %dma_wait3A_109] : memref<640x64xf32, #tpu.memory_space<vmem>> -> memref<128x64xf32, #tpu.memory_space<vmem>>
      %dma_wait3A_111 = arith.constant 512 : i32
      %dma_wait3A_112 = tpu.memref_slice %arg10[%dma_wait3A_111] : memref<640xi32, #tpu.memory_space<vmem>> -> memref<128xi32, #tpu.memory_space<vmem>>
      %dma_wait3A_113 = arith.constant 0 : i32
      %dma_wait3A_114 = arith.constant 0 : i32
      %dma_wait3A_115 = tpu.memref_slice %arg6[%dma_wait3A_113, %dma_wait3A_114] : memref<1000000x64xf32, #tpu.memory_space<hbm>> -> memref<1000000x64xf32, #tpu.memory_space<hbm>>
      tpu.wait_indirect_dma semaphore(%arg15 : memref<!tpu.dma_semaphore, #tpu.memory_space<semaphore_mem>>) src(%dma_wait3A_115 : memref<1000000x64xf32, #tpu.memory_space<hbm>>) dst(%dma_wait3A_110 : memref<128x64xf32, #tpu.memory_space<vmem>>)
      %scan3A_116 = arith.constant 0 : i32
      %scan3A_117 = arith.constant 0 : i32
      %scan3A_118 = arith.constant 32 : i32
      %scan3A_119 = arith.addi %scan3A_117, %scan3A_118 : i32
      %scan3A_120 = arith.constant 1 : i32
      scf.for %scan3A_126 = %scan3A_117 to %scan3A_119 step %scan3A_120  : i32 {
        %get3A = arith.index_cast %scan3A_126 : i32 to index
        %get3A_127 = arith.constant 0 : index
        %get3A_128 = tpu.vector_load %arg11[%get3A, %get3A_127] {strides = array<i32>} : memref<32x64xf32, #tpu.memory_space<vmem>>, vector<1x16xf32>,
        %get3A_129 = vector.shape_cast %get3A_128 : vector<1x16xf32> to vector<16xf32>
        %get3A_130 = arith.index_cast %scan3A_126 : i32 to index
        %get3A_131 = arith.constant 16 : index
        %get3A_132 = tpu.vector_load %arg11[%get3A_130, %get3A_131] {strides = array<i32>} : memref<32x64xf32, #tpu.memory_space<vmem>>, vector<1x16xf32>,
        %get3A_133 = vector.shape_cast %get3A_132 : vector<1x16xf32> to vector<16xf32>
        %get3A_134 = arith.index_cast %scan3A_126 : i32 to index
        %get3A_135 = arith.constant 32 : index
        %get3A_136 = tpu.vector_load %arg11[%get3A_134, %get3A_135] {strides = array<i32>} : memref<32x64xf32, #tpu.memory_space<vmem>>, vector<1x16xf32>,
        %get3A_137 = vector.shape_cast %get3A_136 : vector<1x16xf32> to vector<16xf32>
        %get3A_138 = arith.index_cast %scan3A_126 : i32 to index
        %get3A_139 = arith.constant 48 : index
        %get3A_140 = tpu.vector_load %arg11[%get3A_138, %get3A_139] {strides = array<i32>} : memref<32x64xf32, #tpu.memory_space<vmem>>, vector<1x16xf32>,
        %get3A_141 = vector.shape_cast %get3A_140 : vector<1x16xf32> to vector<16xf32>
        %get3A_142 = arith.index_cast %scan3A_126 : i32 to index
        %get3A_143 = arith.constant 0 : index
        %get3A_144 = tpu.vector_load %arg12[%get3A_142, %get3A_143] {strides = array<i32>} : memref<32x64xf32, #tpu.memory_space<vmem>>, vector<1x16xf32>,
        %get3A_145 = vector.shape_cast %get3A_144 : vector<1x16xf32> to vector<16xf32>
        %mul3A_146 = arith.mulf %get3A_129, %get3A_145 : vector<16xf32>
        %get3A_147 = arith.index_cast %scan3A_126 : i32 to index
        %get3A_148 = arith.constant 16 : index
        %get3A_149 = tpu.vector_load %arg12[%get3A_147, %get3A_148] {strides = array<i32>} : memref<32x64xf32, #tpu.memory_space<vmem>>, vector<1x16xf32>,
        %get3A_150 = vector.shape_cast %get3A_149 : vector<1x16xf32> to vector<16xf32>
        %mul3A_151 = arith.mulf %get3A_133, %get3A_150 : vector<16xf32>
        %add3A_152 = arith.addf %mul3A_146, %mul3A_151 : vector<16xf32>
        %get3A_153 = arith.index_cast %scan3A_126 : i32 to index
        %get3A_154 = arith.constant 32 : index
        %get3A_155 = tpu.vector_load %arg12[%get3A_153, %get3A_154] {strides = array<i32>} : memref<32x64xf32, #tpu.memory_space<vmem>>, vector<1x16xf32>,
        %get3A_156 = vector.shape_cast %get3A_155 : vector<1x16xf32> to vector<16xf32>
        %mul3A_157 = arith.mulf %get3A_137, %get3A_156 : vector<16xf32>
        %add3A_158 = arith.addf %add3A_152, %mul3A_157 : vector<16xf32>
        %get3A_159 = arith.index_cast %scan3A_126 : i32 to index
        %get3A_160 = arith.constant 48 : index
        %get3A_161 = tpu.vector_load %arg12[%get3A_159, %get3A_160] {strides = array<i32>} : memref<32x64xf32, #tpu.memory_space<vmem>>, vector<1x16xf32>,
        %get3A_162 = vector.shape_cast %get3A_161 : vector<1x16xf32> to vector<16xf32>
        %mul3A_163 = arith.mulf %get3A_141, %get3A_162 : vector<16xf32>
        %add3A_164 = arith.addf %add3A_158, %mul3A_163 : vector<16xf32>
        %mul3A_165 = arith.constant 336 : i32
        %mul3A_166 = arith.muli %scan3A_126, %mul3A_165 : i32
        %swap3A = arith.index_cast %mul3A_166 : i32 to index
        %swap3A_167 = tpu.vector_load %arg14[%swap3A] {strides = array<i32>} : memref<10752xf32, #tpu.memory_space<vmem>>, vector<16xf32>,
        %swap3A_168 = vector.shape_cast %swap3A_167 : vector<16xf32> to vector<16xf32>
        %swap3A_169 = vector.shape_cast %add3A_164 : vector<16xf32> to vector<16xf32>
        tpu.vector_store %arg14[%swap3A], %swap3A_169 {strides = array<i32>} : memref<10752xf32, #tpu.memory_space<vmem>>, vector<16xf32>,
        %mul3A_170 = arith.constant 20 : i32
        %mul3A_171 = arith.muli %scan3A_126, %mul3A_170 : i32
        %add3A_172 = arith.constant 0 : i32
        %add3A_173 = arith.addi %mul3A_171, %add3A_172 : i32
        %get3A_174 = arith.index_cast %add3A_173 : i32 to index
        %get3A_175 = arith.constant 0 : index
        %get3A_176 = tpu.vector_load %arg13[%get3A_174, %get3A_175] {strides = array<i32>} : memref<640x64xf32, #tpu.memory_space<vmem>>, vector<1x16xf32>,
        %get3A_177 = vector.shape_cast %get3A_176 : vector<1x16xf32> to vector<16xf32>
        %mul3A_178 = arith.mulf %get3A_129, %get3A_177 : vector<16xf32>
        %get3A_179 = arith.index_cast %add3A_173 : i32 to index
        %get3A_180 = arith.constant 16 : index
        %get3A_181 = tpu.vector_load %arg13[%get3A_179, %get3A_180] {strides = array<i32>} : memref<640x64xf32, #tpu.memory_space<vmem>>, vector<1x16xf32>,
        %get3A_182 = vector.shape_cast %get3A_181 : vector<1x16xf32> to vector<16xf32>
        %mul3A_183 = arith.mulf %get3A_133, %get3A_182 : vector<16xf32>
        %add3A_184 = arith.addf %mul3A_178, %mul3A_183 : vector<16xf32>
        %get3A_185 = arith.index_cast %add3A_173 : i32 to index
        %get3A_186 = arith.constant 32 : index
        %get3A_187 = tpu.vector_load %arg13[%get3A_185, %get3A_186] {strides = array<i32>} : memref<640x64xf32, #tpu.memory_space<vmem>>, vector<1x16xf32>,
        %get3A_188 = vector.shape_cast %get3A_187 : vector<1x16xf32> to vector<16xf32>
        %mul3A_189 = arith.mulf %get3A_137, %get3A_188 : vector<16xf32>
        %add3A_190 = arith.addf %add3A_184, %mul3A_189 : vector<16xf32>
        %get3A_191 = arith.index_cast %add3A_173 : i32 to index
        %get3A_192 = arith.constant 48 : index
        %get3A_193 = tpu.vector_load %arg13[%get3A_191, %get3A_192] {strides = array<i32>} : memref<640x64xf32, #tpu.memory_space<vmem>>, vector<1x16xf32>,
        %get3A_194 = vector.shape_cast %get3A_193 : vector<1x16xf32> to vector<16xf32>
        %mul3A_195 = arith.mulf %get3A_141, %get3A_194 : vector<16xf32>
        %add3A_196 = arith.addf %add3A_190, %mul3A_195 : vector<16xf32>
        %add3A_197 = arith.constant 16 : i32
        %add3A_198 = arith.addi %mul3A_166, %add3A_197 : i32
        %swap3A_199 = arith.index_cast %add3A_198 : i32 to index
        %swap3A_200 = tpu.vector_load %arg14[%swap3A_199] {strides = array<i32>} : memref<10752xf32, #tpu.memory_space<vmem>>, vector<16xf32>,
        %swap3A_201 = vector.shape_cast %swap3A_200 : vector<16xf32> to vector<16xf32>
        %swap3A_202 = vector.shape_cast %add3A_196 : vector<16xf32> to vector<16xf32>
        tpu.vector_store %arg14[%swap3A_199], %swap3A_202 {strides = array<i32>} : memref<10752xf32, #tpu.memory_space<vmem>>, vector<16xf32>,
        %mul3A_203 = arith.constant 20 : i32
        %mul3A_204 = arith.muli %scan3A_126, %mul3A_203 : i32
        %add3A_205 = arith.constant 1 : i32
        %add3A_206 = arith.addi %mul3A_204, %add3A_205 : i32
        %get3A_207 = arith.index_cast %add3A_206 : i32 to index
        %get3A_208 = arith.constant 0 : index
        %get3A_209 = tpu.vector_load %arg13[%get3A_207, %get3A_208] {strides = array<i32>} : memref<640x64xf32, #tpu.memory_space<vmem>>, vector<1x16xf32>,
        %get3A_210 = vector.shape_cast %get3A_209 : vector<1x16xf32> to vector<16xf32>
        %mul3A_211 = arith.mulf %get3A_129, %get3A_210 : vector<16xf32>
        %get3A_212 = arith.index_cast %add3A_206 : i32 to index
        %get3A_213 = arith.constant 16 : index
        %get3A_214 = tpu.vector_load %arg13[%get3A_212, %get3A_213] {strides = array<i32>} : memref<640x64xf32, #tpu.memory_space<vmem>>, vector<1x16xf32>,
        %get3A_215 = vector.shape_cast %get3A_214 : vector<1x16xf32> to vector<16xf32>
        %mul3A_216 = arith.mulf %get3A_133, %get3A_215 : vector<16xf32>
        %add3A_217 = arith.addf %mul3A_211, %mul3A_216 : vector<16xf32>
        %get3A_218 = arith.index_cast %add3A_206 : i32 to index
        %get3A_219 = arith.constant 32 : index
        %get3A_220 = tpu.vector_load %arg13[%get3A_218, %get3A_219] {strides = array<i32>} : memref<640x64xf32, #tpu.memory_space<vmem>>, vector<1x16xf32>,
        %get3A_221 = vector.shape_cast %get3A_220 : vector<1x16xf32> to vector<16xf32>
        %mul3A_222 = arith.mulf %get3A_137, %get3A_221 : vector<16xf32>
        %add3A_223 = arith.addf %add3A_217, %mul3A_222 : vector<16xf32>
        %get3A_224 = arith.index_cast %add3A_206 : i32 to index
        %get3A_225 = arith.constant 48 : index
        %get3A_226 = tpu.vector_load %arg13[%get3A_224, %get3A_225] {strides = array<i32>} : memref<640x64xf32, #tpu.memory_space<vmem>>, vector<1x16xf32>,
        %get3A_227 = vector.shape_cast %get3A_226 : vector<1x16xf32> to vector<16xf32>
        %mul3A_228 = arith.mulf %get3A_141, %get3A_227 : vector<16xf32>
        %add3A_229 = arith.addf %add3A_223, %mul3A_228 : vector<16xf32>
        %add3A_230 = arith.constant 32 : i32
        %add3A_231 = arith.addi %mul3A_166, %add3A_230 : i32
        %swap3A_232 = arith.index_cast %add3A_231 : i32 to index
        %swap3A_233 = tpu.vector_load %arg14[%swap3A_232] {strides = array<i32>} : memref<10752xf32, #tpu.memory_space<vmem>>, vector<16xf32>,
        %swap3A_234 = vector.shape_cast %swap3A_233 : vector<16xf32> to vector<16xf32>
        %swap3A_235 = vector.shape_cast %add3A_229 : vector<16xf32> to vector<16xf32>
        tpu.vector_store %arg14[%swap3A_232], %swap3A_235 {strides = array<i32>} : memref<10752xf32, #tpu.memory_space<vmem>>, vector<16xf32>,
        %mul3A_236 = arith.constant 20 : i32
        %mul3A_237 = arith.muli %scan3A_126, %mul3A_236 : i32
        %add3A_238 = arith.constant 2 : i32
        %add3A_239 = arith.addi %mul3A_237, %add3A_238 : i32
        %get3A_240 = arith.index_cast %add3A_239 : i32 to index
        %get3A_241 = arith.constant 0 : index
        %get3A_242 = tpu.vector_load %arg13[%get3A_240, %get3A_241] {strides = array<i32>} : memref<640x64xf32, #tpu.memory_space<vmem>>, vector<1x16xf32>,
        %get3A_243 = vector.shape_cast %get3A_242 : vector<1x16xf32> to vector<16xf32>
        %mul3A_244 = arith.mulf %get3A_129, %get3A_243 : vector<16xf32>
        %get3A_245 = arith.index_cast %add3A_239 : i32 to index
        %get3A_246 = arith.constant 16 : index
        %get3A_247 = tpu.vector_load %arg13[%get3A_245, %get3A_246] {strides = array<i32>} : memref<640x64xf32, #tpu.memory_space<vmem>>, vector<1x16xf32>,
        %get3A_248 = vector.shape_cast %get3A_247 : vector<1x16xf32> to vector<16xf32>
        %mul3A_249 = arith.mulf %get3A_133, %get3A_248 : vector<16xf32>
        %add3A_250 = arith.addf %mul3A_244, %mul3A_249 : vector<16xf32>
        %get3A_251 = arith.index_cast %add3A_239 : i32 to index
        %get3A_252 = arith.constant 32 : index
        %get3A_253 = tpu.vector_load %arg13[%get3A_251, %get3A_252] {strides = array<i32>} : memref<640x64xf32, #tpu.memory_space<vmem>>, vector<1x16xf32>,
        %get3A_254 = vector.shape_cast %get3A_253 : vector<1x16xf32> to vector<16xf32>
        %mul3A_255 = arith.mulf %get3A_137, %get3A_254 : vector<16xf32>
        %add3A_256 = arith.addf %add3A_250, %mul3A_255 : vector<16xf32>
        %get3A_257 = arith.index_cast %add3A_239 : i32 to index
        %get3A_258 = arith.constant 48 : index
        %get3A_259 = tpu.vector_load %arg13[%get3A_257, %get3A_258] {strides = array<i32>} : memref<640x64xf32, #tpu.memory_space<vmem>>, vector<1x16xf32>,
        %get3A_260 = vector.shape_cast %get3A_259 : vector<1x16xf32> to vector<16xf32>
        %mul3A_261 = arith.mulf %get3A_141, %get3A_260 : vector<16xf32>
        %add3A_262 = arith.addf %add3A_256, %mul3A_261 : vector<16xf32>
        %add3A_263 = arith.constant 48 : i32
        %add3A_264 = arith.addi %mul3A_166, %add3A_263 : i32
        %swap3A_265 = arith.index_cast %add3A_264 : i32 to index
        %swap3A_266 = tpu.vector_load %arg14[%swap3A_265] {strides = array<i32>} : memref<10752xf32, #tpu.memory_space<vmem>>, vector<16xf32>,
        %swap3A_267 = vector.shape_cast %swap3A_266 : vector<16xf32> to vector<16xf32>
        %swap3A_268 = vector.shape_cast %add3A_262 : vector<16xf32> to vector<16xf32>
        tpu.vector_store %arg14[%swap3A_265], %swap3A_268 {strides = array<i32>} : memref<10752xf32, #tpu.memory_space<vmem>>, vector<16xf32>,
        %mul3A_269 = arith.constant 20 : i32
        %mul3A_270 = arith.muli %scan3A_126, %mul3A_269 : i32
        %add3A_271 = arith.constant 3 : i32
        %add3A_272 = arith.addi %mul3A_270, %add3A_271 : i32
        %get3A_273 = arith.index_cast %add3A_272 : i32 to index
        %get3A_274 = arith.constant 0 : index
        %get3A_275 = tpu.vector_load %arg13[%get3A_273, %get3A_274] {strides = array<i32>} : memref<640x64xf32, #tpu.memory_space<vmem>>, vector<1x16xf32>,
        %get3A_276 = vector.shape_cast %get3A_275 : vector<1x16xf32> to vector<16xf32>
        %mul3A_277 = arith.mulf %get3A_129, %get3A_276 : vector<16xf32>
        %get3A_278 = arith.index_cast %add3A_272 : i32 to index
        %get3A_279 = arith.constant 16 : index
        %get3A_280 = tpu.vector_load %arg13[%get3A_278, %get3A_279] {strides = array<i32>} : memref<640x64xf32, #tpu.memory_space<vmem>>, vector<1x16xf32>,
        %get3A_281 = vector.shape_cast %get3A_280 : vector<1x16xf32> to vector<16xf32>
        %mul3A_282 = arith.mulf %get3A_133, %get3A_281 : vector<16xf32>
        %add3A_283 = arith.addf %mul3A_277, %mul3A_282 : vector<16xf32>
        %get3A_284 = arith.index_cast %add3A_272 : i32 to index
        %get3A_285 = arith.constant 32 : index
        %get3A_286 = tpu.vector_load %arg13[%get3A_284, %get3A_285] {strides = array<i32>} : memref<640x64xf32, #tpu.memory_space<vmem>>, vector<1x16xf32>,
        %get3A_287 = vector.shape_cast %get3A_286 : vector<1x16xf32> to vector<16xf32>
        %mul3A_288 = arith.mulf %get3A_137, %get3A_287 : vector<16xf32>
        %add3A_289 = arith.addf %add3A_283, %mul3A_288 : vector<16xf32>
        %get3A_290 = arith.index_cast %add3A_272 : i32 to index
        %get3A_291 = arith.constant 48 : index
        %get3A_292 = tpu.vector_load %arg13[%get3A_290, %get3A_291] {strides = array<i32>} : memref<640x64xf32, #tpu.memory_space<vmem>>, vector<1x16xf32>,
        %get3A_293 = vector.shape_cast %get3A_292 : vector<1x16xf32> to vector<16xf32>
        %mul3A_294 = arith.mulf %get3A_141, %get3A_293 : vector<16xf32>
        %add3A_295 = arith.addf %add3A_289, %mul3A_294 : vector<16xf32>
        %add3A_296 = arith.constant 64 : i32
        %add3A_297 = arith.addi %mul3A_166, %add3A_296 : i32
        %swap3A_298 = arith.index_cast %add3A_297 : i32 to index
        %swap3A_299 = tpu.vector_load %arg14[%swap3A_298] {strides = array<i32>} : memref<10752xf32, #tpu.memory_space<vmem>>, vector<16xf32>,
        %swap3A_300 = vector.shape_cast %swap3A_299 : vector<16xf32> to vector<16xf32>
        %swap3A_301 = vector.shape_cast %add3A_295 : vector<16xf32> to vector<16xf32>
        tpu.vector_store %arg14[%swap3A_298], %swap3A_301 {strides = array<i32>} : memref<10752xf32, #tpu.memory_space<vmem>>, vector<16xf32>,
        %mul3A_302 = arith.constant 20 : i32
        %mul3A_303 = arith.muli %scan3A_126, %mul3A_302 : i32
        %add3A_304 = arith.constant 4 : i32
        %add3A_305 = arith.addi %mul3A_303, %add3A_304 : i32
        %get3A_306 = arith.index_cast %add3A_305 : i32 to index
        %get3A_307 = arith.constant 0 : index
        %get3A_308 = tpu.vector_load %arg13[%get3A_306, %get3A_307] {strides = array<i32>} : memref<640x64xf32, #tpu.memory_space<vmem>>, vector<1x16xf32>,
        %get3A_309 = vector.shape_cast %get3A_308 : vector<1x16xf32> to vector<16xf32>
        %mul3A_310 = arith.mulf %get3A_129, %get3A_309 : vector<16xf32>
        %get3A_311 = arith.index_cast %add3A_305 : i32 to index
        %get3A_312 = arith.constant 16 : index
        %get3A_313 = tpu.vector_load %arg13[%get3A_311, %get3A_312] {strides = array<i32>} : memref<640x64xf32, #tpu.memory_space<vmem>>, vector<1x16xf32>,
        %get3A_314 = vector.shape_cast %get3A_313 : vector<1x16xf32> to vector<16xf32>
        %mul3A_315 = arith.mulf %get3A_133, %get3A_314 : vector<16xf32>
        %add3A_316 = arith.addf %mul3A_310, %mul3A_315 : vector<16xf32>
        %get3A_317 = arith.index_cast %add3A_305 : i32 to index
        %get3A_318 = arith.constant 32 : index
        %get3A_319 = tpu.vector_load %arg13[%get3A_317, %get3A_318] {strides = array<i32>} : memref<640x64xf32, #tpu.memory_space<vmem>>, vector<1x16xf32>,
        %get3A_320 = vector.shape_cast %get3A_319 : vector<1x16xf32> to vector<16xf32>
        %mul3A_321 = arith.mulf %get3A_137, %get3A_320 : vector<16xf32>
        %add3A_322 = arith.addf %add3A_316, %mul3A_321 : vector<16xf32>
        %get3A_323 = arith.index_cast %add3A_305 : i32 to index
        %get3A_324 = arith.constant 48 : index
        %get3A_325 = tpu.vector_load %arg13[%get3A_323, %get3A_324] {strides = array<i32>} : memref<640x64xf32, #tpu.memory_space<vmem>>, vector<1x16xf32>,
        %get3A_326 = vector.shape_cast %get3A_325 : vector<1x16xf32> to vector<16xf32>
        %mul3A_327 = arith.mulf %get3A_141, %get3A_326 : vector<16xf32>
        %add3A_328 = arith.addf %add3A_322, %mul3A_327 : vector<16xf32>
        %add3A_329 = arith.constant 80 : i32
        %add3A_330 = arith.addi %mul3A_166, %add3A_329 : i32
        %swap3A_331 = arith.index_cast %add3A_330 : i32 to index
        %swap3A_332 = tpu.vector_load %arg14[%swap3A_331] {strides = array<i32>} : memref<10752xf32, #tpu.memory_space<vmem>>, vector<16xf32>,
        %swap3A_333 = vector.shape_cast %swap3A_332 : vector<16xf32> to vector<16xf32>
        %swap3A_334 = vector.shape_cast %add3A_328 : vector<16xf32> to vector<16xf32>
        tpu.vector_store %arg14[%swap3A_331], %swap3A_334 {strides = array<i32>} : memref<10752xf32, #tpu.memory_space<vmem>>, vector<16xf32>,
        %mul3A_335 = arith.constant 20 : i32
        %mul3A_336 = arith.muli %scan3A_126, %mul3A_335 : i32
        %add3A_337 = arith.constant 5 : i32
        %add3A_338 = arith.addi %mul3A_336, %add3A_337 : i32
        %get3A_339 = arith.index_cast %add3A_338 : i32 to index
        %get3A_340 = arith.constant 0 : index
        %get3A_341 = tpu.vector_load %arg13[%get3A_339, %get3A_340] {strides = array<i32>} : memref<640x64xf32, #tpu.memory_space<vmem>>, vector<1x16xf32>,
        %get3A_342 = vector.shape_cast %get3A_341 : vector<1x16xf32> to vector<16xf32>
        %mul3A_343 = arith.mulf %get3A_129, %get3A_342 : vector<16xf32>
        %get3A_344 = arith.index_cast %add3A_338 : i32 to index
        %get3A_345 = arith.constant 16 : index
        %get3A_346 = tpu.vector_load %arg13[%get3A_344, %get3A_345] {strides = array<i32>} : memref<640x64xf32, #tpu.memory_space<vmem>>, vector<1x16xf32>,
        %get3A_347 = vector.shape_cast %get3A_346 : vector<1x16xf32> to vector<16xf32>
        %mul3A_348 = arith.mulf %get3A_133, %get3A_347 : vector<16xf32>
        %add3A_349 = arith.addf %mul3A_343, %mul3A_348 : vector<16xf32>
        %get3A_350 = arith.index_cast %add3A_338 : i32 to index
        %get3A_351 = arith.constant 32 : index
        %get3A_352 = tpu.vector_load %arg13[%get3A_350, %get3A_351] {strides = array<i32>} : memref<640x64xf32, #tpu.memory_space<vmem>>, vector<1x16xf32>,
        %get3A_353 = vector.shape_cast %get3A_352 : vector<1x16xf32> to vector<16xf32>
        %mul3A_354 = arith.mulf %get3A_137, %get3A_353 : vector<16xf32>
        %add3A_355 = arith.addf %add3A_349, %mul3A_354 : vector<16xf32>
        %get3A_356 = arith.index_cast %add3A_338 : i32 to index
        %get3A_357 = arith.constant 48 : index
        %get3A_358 = tpu.vector_load %arg13[%get3A_356, %get3A_357] {strides = array<i32>} : memref<640x64xf32, #tpu.memory_space<vmem>>, vector<1x16xf32>,
        %get3A_359 = vector.shape_cast %get3A_358 : vector<1x16xf32> to vector<16xf32>
        %mul3A_360 = arith.mulf %get3A_141, %get3A_359 : vector<16xf32>
        %add3A_361 = arith.addf %add3A_355, %mul3A_360 : vector<16xf32>
        %add3A_362 = arith.constant 96 : i32
        %add3A_363 = arith.addi %mul3A_166, %add3A_362 : i32
        %swap3A_364 = arith.index_cast %add3A_363 : i32 to index
        %swap3A_365 = tpu.vector_load %arg14[%swap3A_364] {strides = array<i32>} : memref<10752xf32, #tpu.memory_space<vmem>>, vector<16xf32>,
        %swap3A_366 = vector.shape_cast %swap3A_365 : vector<16xf32> to vector<16xf32>
        %swap3A_367 = vector.shape_cast %add3A_361 : vector<16xf32> to vector<16xf32>
        tpu.vector_store %arg14[%swap3A_364], %swap3A_367 {strides = array<i32>} : memref<10752xf32, #tpu.memory_space<vmem>>, vector<16xf32>,
        %mul3A_368 = arith.constant 20 : i32
        %mul3A_369 = arith.muli %scan3A_126, %mul3A_368 : i32
        %add3A_370 = arith.constant 6 : i32
        %add3A_371 = arith.addi %mul3A_369, %add3A_370 : i32
        %get3A_372 = arith.index_cast %add3A_371 : i32 to index
        %get3A_373 = arith.constant 0 : index
        %get3A_374 = tpu.vector_load %arg13[%get3A_372, %get3A_373] {strides = array<i32>} : memref<640x64xf32, #tpu.memory_space<vmem>>, vector<1x16xf32>,
        %get3A_375 = vector.shape_cast %get3A_374 : vector<1x16xf32> to vector<16xf32>
        %mul3A_376 = arith.mulf %get3A_129, %get3A_375 : vector<16xf32>
        %get3A_377 = arith.index_cast %add3A_371 : i32 to index
        %get3A_378 = arith.constant 16 : index
        %get3A_379 = tpu.vector_load %arg13[%get3A_377, %get3A_378] {strides = array<i32>} : memref<640x64xf32, #tpu.memory_space<vmem>>, vector<1x16xf32>,
        %get3A_380 = vector.shape_cast %get3A_379 : vector<1x16xf32> to vector<16xf32>
        %mul3A_381 = arith.mulf %get3A_133, %get3A_380 : vector<16xf32>
        %add3A_382 = arith.addf %mul3A_376, %mul3A_381 : vector<16xf32>
        %get3A_383 = arith.index_cast %add3A_371 : i32 to index
        %get3A_384 = arith.constant 32 : index
        %get3A_385 = tpu.vector_load %arg13[%get3A_383, %get3A_384] {strides = array<i32>} : memref<640x64xf32, #tpu.memory_space<vmem>>, vector<1x16xf32>,
        %get3A_386 = vector.shape_cast %get3A_385 : vector<1x16xf32> to vector<16xf32>
        %mul3A_387 = arith.mulf %get3A_137, %get3A_386 : vector<16xf32>
        %add3A_388 = arith.addf %add3A_382, %mul3A_387 : vector<16xf32>
        %get3A_389 = arith.index_cast %add3A_371 : i32 to index
        %get3A_390 = arith.constant 48 : index
        %get3A_391 = tpu.vector_load %arg13[%get3A_389, %get3A_390] {strides = array<i32>} : memref<640x64xf32, #tpu.memory_space<vmem>>, vector<1x16xf32>,
        %get3A_392 = vector.shape_cast %get3A_391 : vector<1x16xf32> to vector<16xf32>
        %mul3A_393 = arith.mulf %get3A_141, %get3A_392 : vector<16xf32>
        %add3A_394 = arith.addf %add3A_388, %mul3A_393 : vector<16xf32>
        %add3A_395 = arith.constant 112 : i32
        %add3A_396 = arith.addi %mul3A_166, %add3A_395 : i32
        %swap3A_397 = arith.index_cast %add3A_396 : i32 to index
        %swap3A_398 = tpu.vector_load %arg14[%swap3A_397] {strides = array<i32>} : memref<10752xf32, #tpu.memory_space<vmem>>, vector<16xf32>,
        %swap3A_399 = vector.shape_cast %swap3A_398 : vector<16xf32> to vector<16xf32>
        %swap3A_400 = vector.shape_cast %add3A_394 : vector<16xf32> to vector<16xf32>
        tpu.vector_store %arg14[%swap3A_397], %swap3A_400 {strides = array<i32>} : memref<10752xf32, #tpu.memory_space<vmem>>, vector<16xf32>,
        %mul3A_401 = arith.constant 20 : i32
        %mul3A_402 = arith.muli %scan3A_126, %mul3A_401 : i32
        %add3A_403 = arith.constant 7 : i32
        %add3A_404 = arith.addi %mul3A_402, %add3A_403 : i32
        %get3A_405 = arith.index_cast %add3A_404 : i32 to index
        %get3A_406 = arith.constant 0 : index
        %get3A_407 = tpu.vector_load %arg13[%get3A_405, %get3A_406] {strides = array<i32>} : memref<640x64xf32, #tpu.memory_space<vmem>>, vector<1x16xf32>,
        %get3A_408 = vector.shape_cast %get3A_407 : vector<1x16xf32> to vector<16xf32>
        %mul3A_409 = arith.mulf %get3A_129, %get3A_408 : vector<16xf32>
        %get3A_410 = arith.index_cast %add3A_404 : i32 to index
        %get3A_411 = arith.constant 16 : index
        %get3A_412 = tpu.vector_load %arg13[%get3A_410, %get3A_411] {strides = array<i32>} : memref<640x64xf32, #tpu.memory_space<vmem>>, vector<1x16xf32>,
        %get3A_413 = vector.shape_cast %get3A_412 : vector<1x16xf32> to vector<16xf32>
        %mul3A_414 = arith.mulf %get3A_133, %get3A_413 : vector<16xf32>
        %add3A_415 = arith.addf %mul3A_409, %mul3A_414 : vector<16xf32>
        %get3A_416 = arith.index_cast %add3A_404 : i32 to index
        %get3A_417 = arith.constant 32 : index
        %get3A_418 = tpu.vector_load %arg13[%get3A_416, %get3A_417] {strides = array<i32>} : memref<640x64xf32, #tpu.memory_space<vmem>>, vector<1x16xf32>,
        %get3A_419 = vector.shape_cast %get3A_418 : vector<1x16xf32> to vector<16xf32>
        %mul3A_420 = arith.mulf %get3A_137, %get3A_419 : vector<16xf32>
        %add3A_421 = arith.addf %add3A_415, %mul3A_420 : vector<16xf32>
        %get3A_422 = arith.index_cast %add3A_404 : i32 to index
        %get3A_423 = arith.constant 48 : index
        %get3A_424 = tpu.vector_load %arg13[%get3A_422, %get3A_423] {strides = array<i32>} : memref<640x64xf32, #tpu.memory_space<vmem>>, vector<1x16xf32>,
        %get3A_425 = vector.shape_cast %get3A_424 : vector<1x16xf32> to vector<16xf32>
        %mul3A_426 = arith.mulf %get3A_141, %get3A_425 : vector<16xf32>
        %add3A_427 = arith.addf %add3A_421, %mul3A_426 : vector<16xf32>
        %add3A_428 = arith.constant 128 : i32
        %add3A_429 = arith.addi %mul3A_166, %add3A_428 : i32
        %swap3A_430 = arith.index_cast %add3A_429 : i32 to index
        %swap3A_431 = tpu.vector_load %arg14[%swap3A_430] {strides = array<i32>} : memref<10752xf32, #tpu.memory_space<vmem>>, vector<16xf32>,
        %swap3A_432 = vector.shape_cast %swap3A_431 : vector<16xf32> to vector<16xf32>
        %swap3A_433 = vector.shape_cast %add3A_427 : vector<16xf32> to vector<16xf32>
        tpu.vector_store %arg14[%swap3A_430], %swap3A_433 {strides = array<i32>} : memref<10752xf32, #tpu.memory_space<vmem>>, vector<16xf32>,
        %mul3A_434 = arith.constant 20 : i32
        %mul3A_435 = arith.muli %scan3A_126, %mul3A_434 : i32
        %add3A_436 = arith.constant 8 : i32
        %add3A_437 = arith.addi %mul3A_435, %add3A_436 : i32
        %get3A_438 = arith.index_cast %add3A_437 : i32 to index
        %get3A_439 = arith.constant 0 : index
        %get3A_440 = tpu.vector_load %arg13[%get3A_438, %get3A_439] {strides = array<i32>} : memref<640x64xf32, #tpu.memory_space<vmem>>, vector<1x16xf32>,
        %get3A_441 = vector.shape_cast %get3A_440 : vector<1x16xf32> to vector<16xf32>
        %mul3A_442 = arith.mulf %get3A_129, %get3A_441 : vector<16xf32>
        %get3A_443 = arith.index_cast %add3A_437 : i32 to index
        %get3A_444 = arith.constant 16 : index
        %get3A_445 = tpu.vector_load %arg13[%get3A_443, %get3A_444] {strides = array<i32>} : memref<640x64xf32, #tpu.memory_space<vmem>>, vector<1x16xf32>,
        %get3A_446 = vector.shape_cast %get3A_445 : vector<1x16xf32> to vector<16xf32>
        %mul3A_447 = arith.mulf %get3A_133, %get3A_446 : vector<16xf32>
        %add3A_448 = arith.addf %mul3A_442, %mul3A_447 : vector<16xf32>
        %get3A_449 = arith.index_cast %add3A_437 : i32 to index
        %get3A_450 = arith.constant 32 : index
        %get3A_451 = tpu.vector_load %arg13[%get3A_449, %get3A_450] {strides = array<i32>} : memref<640x64xf32, #tpu.memory_space<vmem>>, vector<1x16xf32>,
        %get3A_452 = vector.shape_cast %get3A_451 : vector<1x16xf32> to vector<16xf32>
        %mul3A_453 = arith.mulf %get3A_137, %get3A_452 : vector<16xf32>
        %add3A_454 = arith.addf %add3A_448, %mul3A_453 : vector<16xf32>
        %get3A_455 = arith.index_cast %add3A_437 : i32 to index
        %get3A_456 = arith.constant 48 : index
        %get3A_457 = tpu.vector_load %arg13[%get3A_455, %get3A_456] {strides = array<i32>} : memref<640x64xf32, #tpu.memory_space<vmem>>, vector<1x16xf32>,
        %get3A_458 = vector.shape_cast %get3A_457 : vector<1x16xf32> to vector<16xf32>
        %mul3A_459 = arith.mulf %get3A_141, %get3A_458 : vector<16xf32>
        %add3A_460 = arith.addf %add3A_454, %mul3A_459 : vector<16xf32>
        %add3A_461 = arith.constant 144 : i32
        %add3A_462 = arith.addi %mul3A_166, %add3A_461 : i32
        %swap3A_463 = arith.index_cast %add3A_462 : i32 to index
        %swap3A_464 = tpu.vector_load %arg14[%swap3A_463] {strides = array<i32>} : memref<10752xf32, #tpu.memory_space<vmem>>, vector<16xf32>,
        %swap3A_465 = vector.shape_cast %swap3A_464 : vector<16xf32> to vector<16xf32>
        %swap3A_466 = vector.shape_cast %add3A_460 : vector<16xf32> to vector<16xf32>
        tpu.vector_store %arg14[%swap3A_463], %swap3A_466 {strides = array<i32>} : memref<10752xf32, #tpu.memory_space<vmem>>, vector<16xf32>,
        %mul3A_467 = arith.constant 20 : i32
        %mul3A_468 = arith.muli %scan3A_126, %mul3A_467 : i32
        %add3A_469 = arith.constant 9 : i32
        %add3A_470 = arith.addi %mul3A_468, %add3A_469 : i32
        %get3A_471 = arith.index_cast %add3A_470 : i32 to index
        %get3A_472 = arith.constant 0 : index
        %get3A_473 = tpu.vector_load %arg13[%get3A_471, %get3A_472] {strides = array<i32>} : memref<640x64xf32, #tpu.memory_space<vmem>>, vector<1x16xf32>,
        %get3A_474 = vector.shape_cast %get3A_473 : vector<1x16xf32> to vector<16xf32>
        %mul3A_475 = arith.mulf %get3A_129, %get3A_474 : vector<16xf32>
        %get3A_476 = arith.index_cast %add3A_470 : i32 to index
        %get3A_477 = arith.constant 16 : index
        %get3A_478 = tpu.vector_load %arg13[%get3A_476, %get3A_477] {strides = array<i32>} : memref<640x64xf32, #tpu.memory_space<vmem>>, vector<1x16xf32>,
        %get3A_479 = vector.shape_cast %get3A_478 : vector<1x16xf32> to vector<16xf32>
        %mul3A_480 = arith.mulf %get3A_133, %get3A_479 : vector<16xf32>
        %add3A_481 = arith.addf %mul3A_475, %mul3A_480 : vector<16xf32>
        %get3A_482 = arith.index_cast %add3A_470 : i32 to index
        %get3A_483 = arith.constant 32 : index
        %get3A_484 = tpu.vector_load %arg13[%get3A_482, %get3A_483] {strides = array<i32>} : memref<640x64xf32, #tpu.memory_space<vmem>>, vector<1x16xf32>,
        %get3A_485 = vector.shape_cast %get3A_484 : vector<1x16xf32> to vector<16xf32>
        %mul3A_486 = arith.mulf %get3A_137, %get3A_485 : vector<16xf32>
        %add3A_487 = arith.addf %add3A_481, %mul3A_486 : vector<16xf32>
        %get3A_488 = arith.index_cast %add3A_470 : i32 to index
        %get3A_489 = arith.constant 48 : index
        %get3A_490 = tpu.vector_load %arg13[%get3A_488, %get3A_489] {strides = array<i32>} : memref<640x64xf32, #tpu.memory_space<vmem>>, vector<1x16xf32>,
        %get3A_491 = vector.shape_cast %get3A_490 : vector<1x16xf32> to vector<16xf32>
        %mul3A_492 = arith.mulf %get3A_141, %get3A_491 : vector<16xf32>
        %add3A_493 = arith.addf %add3A_487, %mul3A_492 : vector<16xf32>
        %add3A_494 = arith.constant 160 : i32
        %add3A_495 = arith.addi %mul3A_166, %add3A_494 : i32
        %swap3A_496 = arith.index_cast %add3A_495 : i32 to index
        %swap3A_497 = tpu.vector_load %arg14[%swap3A_496] {strides = array<i32>} : memref<10752xf32, #tpu.memory_space<vmem>>, vector<16xf32>,
        %swap3A_498 = vector.shape_cast %swap3A_497 : vector<16xf32> to vector<16xf32>
        %swap3A_499 = vector.shape_cast %add3A_493 : vector<16xf32> to vector<16xf32>
        tpu.vector_store %arg14[%swap3A_496], %swap3A_499 {strides = array<i32>} : memref<10752xf32, #tpu.memory_space<vmem>>, vector<16xf32>,
        %mul3A_500 = arith.constant 20 : i32
        %mul3A_501 = arith.muli %scan3A_126, %mul3A_500 : i32
        %add3A_502 = arith.constant 10 : i32
        %add3A_503 = arith.addi %mul3A_501, %add3A_502 : i32
        %get3A_504 = arith.index_cast %add3A_503 : i32 to index
        %get3A_505 = arith.constant 0 : index
        %get3A_506 = tpu.vector_load %arg13[%get3A_504, %get3A_505] {strides = array<i32>} : memref<640x64xf32, #tpu.memory_space<vmem>>, vector<1x16xf32>,
        %get3A_507 = vector.shape_cast %get3A_506 : vector<1x16xf32> to vector<16xf32>
        %mul3A_508 = arith.mulf %get3A_129, %get3A_507 : vector<16xf32>
        %get3A_509 = arith.index_cast %add3A_503 : i32 to index
        %get3A_510 = arith.constant 16 : index
        %get3A_511 = tpu.vector_load %arg13[%get3A_509, %get3A_510] {strides = array<i32>} : memref<640x64xf32, #tpu.memory_space<vmem>>, vector<1x16xf32>,
        %get3A_512 = vector.shape_cast %get3A_511 : vector<1x16xf32> to vector<16xf32>
        %mul3A_513 = arith.mulf %get3A_133, %get3A_512 : vector<16xf32>
        %add3A_514 = arith.addf %mul3A_508, %mul3A_513 : vector<16xf32>
        %get3A_515 = arith.index_cast %add3A_503 : i32 to index
        %get3A_516 = arith.constant 32 : index
        %get3A_517 = tpu.vector_load %arg13[%get3A_515, %get3A_516] {strides = array<i32>} : memref<640x64xf32, #tpu.memory_space<vmem>>, vector<1x16xf32>,
        %get3A_518 = vector.shape_cast %get3A_517 : vector<1x16xf32> to vector<16xf32>
        %mul3A_519 = arith.mulf %get3A_137, %get3A_518 : vector<16xf32>
        %add3A_520 = arith.addf %add3A_514, %mul3A_519 : vector<16xf32>
        %get3A_521 = arith.index_cast %add3A_503 : i32 to index
        %get3A_522 = arith.constant 48 : index
        %get3A_523 = tpu.vector_load %arg13[%get3A_521, %get3A_522] {strides = array<i32>} : memref<640x64xf32, #tpu.memory_space<vmem>>, vector<1x16xf32>,
        %get3A_524 = vector.shape_cast %get3A_523 : vector<1x16xf32> to vector<16xf32>
        %mul3A_525 = arith.mulf %get3A_141, %get3A_524 : vector<16xf32>
        %add3A_526 = arith.addf %add3A_520, %mul3A_525 : vector<16xf32>
        %add3A_527 = arith.constant 176 : i32
        %add3A_528 = arith.addi %mul3A_166, %add3A_527 : i32
        %swap3A_529 = arith.index_cast %add3A_528 : i32 to index
        %swap3A_530 = tpu.vector_load %arg14[%swap3A_529] {strides = array<i32>} : memref<10752xf32, #tpu.memory_space<vmem>>, vector<16xf32>,
        %swap3A_531 = vector.shape_cast %swap3A_530 : vector<16xf32> to vector<16xf32>
        %swap3A_532 = vector.shape_cast %add3A_526 : vector<16xf32> to vector<16xf32>
        tpu.vector_store %arg14[%swap3A_529], %swap3A_532 {strides = array<i32>} : memref<10752xf32, #tpu.memory_space<vmem>>, vector<16xf32>,
        %mul3A_533 = arith.constant 20 : i32
        %mul3A_534 = arith.muli %scan3A_126, %mul3A_533 : i32
        %add3A_535 = arith.constant 11 : i32
        %add3A_536 = arith.addi %mul3A_534, %add3A_535 : i32
        %get3A_537 = arith.index_cast %add3A_536 : i32 to index
        %get3A_538 = arith.constant 0 : index
        %get3A_539 = tpu.vector_load %arg13[%get3A_537, %get3A_538] {strides = array<i32>} : memref<640x64xf32, #tpu.memory_space<vmem>>, vector<1x16xf32>,
        %get3A_540 = vector.shape_cast %get3A_539 : vector<1x16xf32> to vector<16xf32>
        %mul3A_541 = arith.mulf %get3A_129, %get3A_540 : vector<16xf32>
        %get3A_542 = arith.index_cast %add3A_536 : i32 to index
        %get3A_543 = arith.constant 16 : index
        %get3A_544 = tpu.vector_load %arg13[%get3A_542, %get3A_543] {strides = array<i32>} : memref<640x64xf32, #tpu.memory_space<vmem>>, vector<1x16xf32>,
        %get3A_545 = vector.shape_cast %get3A_544 : vector<1x16xf32> to vector<16xf32>
        %mul3A_546 = arith.mulf %get3A_133, %get3A_545 : vector<16xf32>
        %add3A_547 = arith.addf %mul3A_541, %mul3A_546 : vector<16xf32>
        %get3A_548 = arith.index_cast %add3A_536 : i32 to index
        %get3A_549 = arith.constant 32 : index
        %get3A_550 = tpu.vector_load %arg13[%get3A_548, %get3A_549] {strides = array<i32>} : memref<640x64xf32, #tpu.memory_space<vmem>>, vector<1x16xf32>,
        %get3A_551 = vector.shape_cast %get3A_550 : vector<1x16xf32> to vector<16xf32>
        %mul3A_552 = arith.mulf %get3A_137, %get3A_551 : vector<16xf32>
        %add3A_553 = arith.addf %add3A_547, %mul3A_552 : vector<16xf32>
        %get3A_554 = arith.index_cast %add3A_536 : i32 to index
        %get3A_555 = arith.constant 48 : index
        %get3A_556 = tpu.vector_load %arg13[%get3A_554, %get3A_555] {strides = array<i32>} : memref<640x64xf32, #tpu.memory_space<vmem>>, vector<1x16xf32>,
        %get3A_557 = vector.shape_cast %get3A_556 : vector<1x16xf32> to vector<16xf32>
        %mul3A_558 = arith.mulf %get3A_141, %get3A_557 : vector<16xf32>
        %add3A_559 = arith.addf %add3A_553, %mul3A_558 : vector<16xf32>
        %add3A_560 = arith.constant 192 : i32
        %add3A_561 = arith.addi %mul3A_166, %add3A_560 : i32
        %swap3A_562 = arith.index_cast %add3A_561 : i32 to index
        %swap3A_563 = tpu.vector_load %arg14[%swap3A_562] {strides = array<i32>} : memref<10752xf32, #tpu.memory_space<vmem>>, vector<16xf32>,
        %swap3A_564 = vector.shape_cast %swap3A_563 : vector<16xf32> to vector<16xf32>
        %swap3A_565 = vector.shape_cast %add3A_559 : vector<16xf32> to vector<16xf32>
        tpu.vector_store %arg14[%swap3A_562], %swap3A_565 {strides = array<i32>} : memref<10752xf32, #tpu.memory_space<vmem>>, vector<16xf32>,
        %mul3A_566 = arith.constant 20 : i32
        %mul3A_567 = arith.muli %scan3A_126, %mul3A_566 : i32
        %add3A_568 = arith.constant 12 : i32
        %add3A_569 = arith.addi %mul3A_567, %add3A_568 : i32
        %get3A_570 = arith.index_cast %add3A_569 : i32 to index
        %get3A_571 = arith.constant 0 : index
        %get3A_572 = tpu.vector_load %arg13[%get3A_570, %get3A_571] {strides = array<i32>} : memref<640x64xf32, #tpu.memory_space<vmem>>, vector<1x16xf32>,
        %get3A_573 = vector.shape_cast %get3A_572 : vector<1x16xf32> to vector<16xf32>
        %mul3A_574 = arith.mulf %get3A_129, %get3A_573 : vector<16xf32>
        %get3A_575 = arith.index_cast %add3A_569 : i32 to index
        %get3A_576 = arith.constant 16 : index
        %get3A_577 = tpu.vector_load %arg13[%get3A_575, %get3A_576] {strides = array<i32>} : memref<640x64xf32, #tpu.memory_space<vmem>>, vector<1x16xf32>,
        %get3A_578 = vector.shape_cast %get3A_577 : vector<1x16xf32> to vector<16xf32>
        %mul3A_579 = arith.mulf %get3A_133, %get3A_578 : vector<16xf32>
        %add3A_580 = arith.addf %mul3A_574, %mul3A_579 : vector<16xf32>
        %get3A_581 = arith.index_cast %add3A_569 : i32 to index
        %get3A_582 = arith.constant 32 : index
        %get3A_583 = tpu.vector_load %arg13[%get3A_581, %get3A_582] {strides = array<i32>} : memref<640x64xf32, #tpu.memory_space<vmem>>, vector<1x16xf32>,
        %get3A_584 = vector.shape_cast %get3A_583 : vector<1x16xf32> to vector<16xf32>
        %mul3A_585 = arith.mulf %get3A_137, %get3A_584 : vector<16xf32>
        %add3A_586 = arith.addf %add3A_580, %mul3A_585 : vector<16xf32>
        %get3A_587 = arith.index_cast %add3A_569 : i32 to index
        %get3A_588 = arith.constant 48 : index
        %get3A_589 = tpu.vector_load %arg13[%get3A_587, %get3A_588] {strides = array<i32>} : memref<640x64xf32, #tpu.memory_space<vmem>>, vector<1x16xf32>,
        %get3A_590 = vector.shape_cast %get3A_589 : vector<1x16xf32> to vector<16xf32>
        %mul3A_591 = arith.mulf %get3A_141, %get3A_590 : vector<16xf32>
        %add3A_592 = arith.addf %add3A_586, %mul3A_591 : vector<16xf32>
        %add3A_593 = arith.constant 208 : i32
        %add3A_594 = arith.addi %mul3A_166, %add3A_593 : i32
        %swap3A_595 = arith.index_cast %add3A_594 : i32 to index
        %swap3A_596 = tpu.vector_load %arg14[%swap3A_595] {strides = array<i32>} : memref<10752xf32, #tpu.memory_space<vmem>>, vector<16xf32>,
        %swap3A_597 = vector.shape_cast %swap3A_596 : vector<16xf32> to vector<16xf32>
        %swap3A_598 = vector.shape_cast %add3A_592 : vector<16xf32> to vector<16xf32>
        tpu.vector_store %arg14[%swap3A_595], %swap3A_598 {strides = array<i32>} : memref<10752xf32, #tpu.memory_space<vmem>>, vector<16xf32>,
        %mul3A_599 = arith.constant 20 : i32
        %mul3A_600 = arith.muli %scan3A_126, %mul3A_599 : i32
        %add3A_601 = arith.constant 13 : i32
        %add3A_602 = arith.addi %mul3A_600, %add3A_601 : i32
        %get3A_603 = arith.index_cast %add3A_602 : i32 to index
        %get3A_604 = arith.constant 0 : index
        %get3A_605 = tpu.vector_load %arg13[%get3A_603, %get3A_604] {strides = array<i32>} : memref<640x64xf32, #tpu.memory_space<vmem>>, vector<1x16xf32>,
        %get3A_606 = vector.shape_cast %get3A_605 : vector<1x16xf32> to vector<16xf32>
        %mul3A_607 = arith.mulf %get3A_129, %get3A_606 : vector<16xf32>
        %get3A_608 = arith.index_cast %add3A_602 : i32 to index
        %get3A_609 = arith.constant 16 : index
        %get3A_610 = tpu.vector_load %arg13[%get3A_608, %get3A_609] {strides = array<i32>} : memref<640x64xf32, #tpu.memory_space<vmem>>, vector<1x16xf32>,
        %get3A_611 = vector.shape_cast %get3A_610 : vector<1x16xf32> to vector<16xf32>
        %mul3A_612 = arith.mulf %get3A_133, %get3A_611 : vector<16xf32>
        %add3A_613 = arith.addf %mul3A_607, %mul3A_612 : vector<16xf32>
        %get3A_614 = arith.index_cast %add3A_602 : i32 to index
        %get3A_615 = arith.constant 32 : index
        %get3A_616 = tpu.vector_load %arg13[%get3A_614, %get3A_615] {strides = array<i32>} : memref<640x64xf32, #tpu.memory_space<vmem>>, vector<1x16xf32>,
        %get3A_617 = vector.shape_cast %get3A_616 : vector<1x16xf32> to vector<16xf32>
        %mul3A_618 = arith.mulf %get3A_137, %get3A_617 : vector<16xf32>
        %add3A_619 = arith.addf %add3A_613, %mul3A_618 : vector<16xf32>
        %get3A_620 = arith.index_cast %add3A_602 : i32 to index
        %get3A_621 = arith.constant 48 : index
        %get3A_622 = tpu.vector_load %arg13[%get3A_620, %get3A_621] {strides = array<i32>} : memref<640x64xf32, #tpu.memory_space<vmem>>, vector<1x16xf32>,
        %get3A_623 = vector.shape_cast %get3A_622 : vector<1x16xf32> to vector<16xf32>
        %mul3A_624 = arith.mulf %get3A_141, %get3A_623 : vector<16xf32>
        %add3A_625 = arith.addf %add3A_619, %mul3A_624 : vector<16xf32>
        %add3A_626 = arith.constant 224 : i32
        %add3A_627 = arith.addi %mul3A_166, %add3A_626 : i32
        %swap3A_628 = arith.index_cast %add3A_627 : i32 to index
        %swap3A_629 = tpu.vector_load %arg14[%swap3A_628] {strides = array<i32>} : memref<10752xf32, #tpu.memory_space<vmem>>, vector<16xf32>,
        %swap3A_630 = vector.shape_cast %swap3A_629 : vector<16xf32> to vector<16xf32>
        %swap3A_631 = vector.shape_cast %add3A_625 : vector<16xf32> to vector<16xf32>
        tpu.vector_store %arg14[%swap3A_628], %swap3A_631 {strides = array<i32>} : memref<10752xf32, #tpu.memory_space<vmem>>, vector<16xf32>,
        %mul3A_632 = arith.constant 20 : i32
        %mul3A_633 = arith.muli %scan3A_126, %mul3A_632 : i32
        %add3A_634 = arith.constant 14 : i32
        %add3A_635 = arith.addi %mul3A_633, %add3A_634 : i32
        %get3A_636 = arith.index_cast %add3A_635 : i32 to index
        %get3A_637 = arith.constant 0 : index
        %get3A_638 = tpu.vector_load %arg13[%get3A_636, %get3A_637] {strides = array<i32>} : memref<640x64xf32, #tpu.memory_space<vmem>>, vector<1x16xf32>,
        %get3A_639 = vector.shape_cast %get3A_638 : vector<1x16xf32> to vector<16xf32>
        %mul3A_640 = arith.mulf %get3A_129, %get3A_639 : vector<16xf32>
        %get3A_641 = arith.index_cast %add3A_635 : i32 to index
        %get3A_642 = arith.constant 16 : index
        %get3A_643 = tpu.vector_load %arg13[%get3A_641, %get3A_642] {strides = array<i32>} : memref<640x64xf32, #tpu.memory_space<vmem>>, vector<1x16xf32>,
        %get3A_644 = vector.shape_cast %get3A_643 : vector<1x16xf32> to vector<16xf32>
        %mul3A_645 = arith.mulf %get3A_133, %get3A_644 : vector<16xf32>
        %add3A_646 = arith.addf %mul3A_640, %mul3A_645 : vector<16xf32>
        %get3A_647 = arith.index_cast %add3A_635 : i32 to index
        %get3A_648 = arith.constant 32 : index
        %get3A_649 = tpu.vector_load %arg13[%get3A_647, %get3A_648] {strides = array<i32>} : memref<640x64xf32, #tpu.memory_space<vmem>>, vector<1x16xf32>,
        %get3A_650 = vector.shape_cast %get3A_649 : vector<1x16xf32> to vector<16xf32>
        %mul3A_651 = arith.mulf %get3A_137, %get3A_650 : vector<16xf32>
        %add3A_652 = arith.addf %add3A_646, %mul3A_651 : vector<16xf32>
        %get3A_653 = arith.index_cast %add3A_635 : i32 to index
        %get3A_654 = arith.constant 48 : index
        %get3A_655 = tpu.vector_load %arg13[%get3A_653, %get3A_654] {strides = array<i32>} : memref<640x64xf32, #tpu.memory_space<vmem>>, vector<1x16xf32>,
        %get3A_656 = vector.shape_cast %get3A_655 : vector<1x16xf32> to vector<16xf32>
        %mul3A_657 = arith.mulf %get3A_141, %get3A_656 : vector<16xf32>
        %add3A_658 = arith.addf %add3A_652, %mul3A_657 : vector<16xf32>
        %add3A_659 = arith.constant 240 : i32
        %add3A_660 = arith.addi %mul3A_166, %add3A_659 : i32
        %swap3A_661 = arith.index_cast %add3A_660 : i32 to index
        %swap3A_662 = tpu.vector_load %arg14[%swap3A_661] {strides = array<i32>} : memref<10752xf32, #tpu.memory_space<vmem>>, vector<16xf32>,
        %swap3A_663 = vector.shape_cast %swap3A_662 : vector<16xf32> to vector<16xf32>
        %swap3A_664 = vector.shape_cast %add3A_658 : vector<16xf32> to vector<16xf32>
        tpu.vector_store %arg14[%swap3A_661], %swap3A_664 {strides = array<i32>} : memref<10752xf32, #tpu.memory_space<vmem>>, vector<16xf32>,
        %mul3A_665 = arith.constant 20 : i32
        %mul3A_666 = arith.muli %scan3A_126, %mul3A_665 : i32
        %add3A_667 = arith.constant 15 : i32
        %add3A_668 = arith.addi %mul3A_666, %add3A_667 : i32
        %get3A_669 = arith.index_cast %add3A_668 : i32 to index
        %get3A_670 = arith.constant 0 : index
        %get3A_671 = tpu.vector_load %arg13[%get3A_669, %get3A_670] {strides = array<i32>} : memref<640x64xf32, #tpu.memory_space<vmem>>, vector<1x16xf32>,
        %get3A_672 = vector.shape_cast %get3A_671 : vector<1x16xf32> to vector<16xf32>
        %mul3A_673 = arith.mulf %get3A_129, %get3A_672 : vector<16xf32>
        %get3A_674 = arith.index_cast %add3A_668 : i32 to index
        %get3A_675 = arith.constant 16 : index
        %get3A_676 = tpu.vector_load %arg13[%get3A_674, %get3A_675] {strides = array<i32>} : memref<640x64xf32, #tpu.memory_space<vmem>>, vector<1x16xf32>,
        %get3A_677 = vector.shape_cast %get3A_676 : vector<1x16xf32> to vector<16xf32>
        %mul3A_678 = arith.mulf %get3A_133, %get3A_677 : vector<16xf32>
        %add3A_679 = arith.addf %mul3A_673, %mul3A_678 : vector<16xf32>
        %get3A_680 = arith.index_cast %add3A_668 : i32 to index
        %get3A_681 = arith.constant 32 : index
        %get3A_682 = tpu.vector_load %arg13[%get3A_680, %get3A_681] {strides = array<i32>} : memref<640x64xf32, #tpu.memory_space<vmem>>, vector<1x16xf32>,
        %get3A_683 = vector.shape_cast %get3A_682 : vector<1x16xf32> to vector<16xf32>
        %mul3A_684 = arith.mulf %get3A_137, %get3A_683 : vector<16xf32>
        %add3A_685 = arith.addf %add3A_679, %mul3A_684 : vector<16xf32>
        %get3A_686 = arith.index_cast %add3A_668 : i32 to index
        %get3A_687 = arith.constant 48 : index
        %get3A_688 = tpu.vector_load %arg13[%get3A_686, %get3A_687] {strides = array<i32>} : memref<640x64xf32, #tpu.memory_space<vmem>>, vector<1x16xf32>,
        %get3A_689 = vector.shape_cast %get3A_688 : vector<1x16xf32> to vector<16xf32>
        %mul3A_690 = arith.mulf %get3A_141, %get3A_689 : vector<16xf32>
        %add3A_691 = arith.addf %add3A_685, %mul3A_690 : vector<16xf32>
        %add3A_692 = arith.constant 256 : i32
        %add3A_693 = arith.addi %mul3A_166, %add3A_692 : i32
        %swap3A_694 = arith.index_cast %add3A_693 : i32 to index
        %swap3A_695 = tpu.vector_load %arg14[%swap3A_694] {strides = array<i32>} : memref<10752xf32, #tpu.memory_space<vmem>>, vector<16xf32>,
        %swap3A_696 = vector.shape_cast %swap3A_695 : vector<16xf32> to vector<16xf32>
        %swap3A_697 = vector.shape_cast %add3A_691 : vector<16xf32> to vector<16xf32>
        tpu.vector_store %arg14[%swap3A_694], %swap3A_697 {strides = array<i32>} : memref<10752xf32, #tpu.memory_space<vmem>>, vector<16xf32>,
        %mul3A_698 = arith.constant 20 : i32
        %mul3A_699 = arith.muli %scan3A_126, %mul3A_698 : i32
        %add3A_700 = arith.constant 16 : i32
        %add3A_701 = arith.addi %mul3A_699, %add3A_700 : i32
        %get3A_702 = arith.index_cast %add3A_701 : i32 to index
        %get3A_703 = arith.constant 0 : index
        %get3A_704 = tpu.vector_load %arg13[%get3A_702, %get3A_703] {strides = array<i32>} : memref<640x64xf32, #tpu.memory_space<vmem>>, vector<1x16xf32>,
        %get3A_705 = vector.shape_cast %get3A_704 : vector<1x16xf32> to vector<16xf32>
        %mul3A_706 = arith.mulf %get3A_129, %get3A_705 : vector<16xf32>
        %get3A_707 = arith.index_cast %add3A_701 : i32 to index
        %get3A_708 = arith.constant 16 : index
        %get3A_709 = tpu.vector_load %arg13[%get3A_707, %get3A_708] {strides = array<i32>} : memref<640x64xf32, #tpu.memory_space<vmem>>, vector<1x16xf32>,
        %get3A_710 = vector.shape_cast %get3A_709 : vector<1x16xf32> to vector<16xf32>
        %mul3A_711 = arith.mulf %get3A_133, %get3A_710 : vector<16xf32>
        %add3A_712 = arith.addf %mul3A_706, %mul3A_711 : vector<16xf32>
        %get3A_713 = arith.index_cast %add3A_701 : i32 to index
        %get3A_714 = arith.constant 32 : index
        %get3A_715 = tpu.vector_load %arg13[%get3A_713, %get3A_714] {strides = array<i32>} : memref<640x64xf32, #tpu.memory_space<vmem>>, vector<1x16xf32>,
        %get3A_716 = vector.shape_cast %get3A_715 : vector<1x16xf32> to vector<16xf32>
        %mul3A_717 = arith.mulf %get3A_137, %get3A_716 : vector<16xf32>
        %add3A_718 = arith.addf %add3A_712, %mul3A_717 : vector<16xf32>
        %get3A_719 = arith.index_cast %add3A_701 : i32 to index
        %get3A_720 = arith.constant 48 : index
        %get3A_721 = tpu.vector_load %arg13[%get3A_719, %get3A_720] {strides = array<i32>} : memref<640x64xf32, #tpu.memory_space<vmem>>, vector<1x16xf32>,
        %get3A_722 = vector.shape_cast %get3A_721 : vector<1x16xf32> to vector<16xf32>
        %mul3A_723 = arith.mulf %get3A_141, %get3A_722 : vector<16xf32>
        %add3A_724 = arith.addf %add3A_718, %mul3A_723 : vector<16xf32>
        %add3A_725 = arith.constant 272 : i32
        %add3A_726 = arith.addi %mul3A_166, %add3A_725 : i32
        %swap3A_727 = arith.index_cast %add3A_726 : i32 to index
        %swap3A_728 = tpu.vector_load %arg14[%swap3A_727] {strides = array<i32>} : memref<10752xf32, #tpu.memory_space<vmem>>, vector<16xf32>,
        %swap3A_729 = vector.shape_cast %swap3A_728 : vector<16xf32> to vector<16xf32>
        %swap3A_730 = vector.shape_cast %add3A_724 : vector<16xf32> to vector<16xf32>
        tpu.vector_store %arg14[%swap3A_727], %swap3A_730 {strides = array<i32>} : memref<10752xf32, #tpu.memory_space<vmem>>, vector<16xf32>,
        %mul3A_731 = arith.constant 20 : i32
        %mul3A_732 = arith.muli %scan3A_126, %mul3A_731 : i32
        %add3A_733 = arith.constant 17 : i32
        %add3A_734 = arith.addi %mul3A_732, %add3A_733 : i32
        %get3A_735 = arith.index_cast %add3A_734 : i32 to index
        %get3A_736 = arith.constant 0 : index
        %get3A_737 = tpu.vector_load %arg13[%get3A_735, %get3A_736] {strides = array<i32>} : memref<640x64xf32, #tpu.memory_space<vmem>>, vector<1x16xf32>,
        %get3A_738 = vector.shape_cast %get3A_737 : vector<1x16xf32> to vector<16xf32>
        %mul3A_739 = arith.mulf %get3A_129, %get3A_738 : vector<16xf32>
        %get3A_740 = arith.index_cast %add3A_734 : i32 to index
        %get3A_741 = arith.constant 16 : index
        %get3A_742 = tpu.vector_load %arg13[%get3A_740, %get3A_741] {strides = array<i32>} : memref<640x64xf32, #tpu.memory_space<vmem>>, vector<1x16xf32>,
        %get3A_743 = vector.shape_cast %get3A_742 : vector<1x16xf32> to vector<16xf32>
        %mul3A_744 = arith.mulf %get3A_133, %get3A_743 : vector<16xf32>
        %add3A_745 = arith.addf %mul3A_739, %mul3A_744 : vector<16xf32>
        %get3A_746 = arith.index_cast %add3A_734 : i32 to index
        %get3A_747 = arith.constant 32 : index
        %get3A_748 = tpu.vector_load %arg13[%get3A_746, %get3A_747] {strides = array<i32>} : memref<640x64xf32, #tpu.memory_space<vmem>>, vector<1x16xf32>,
        %get3A_749 = vector.shape_cast %get3A_748 : vector<1x16xf32> to vector<16xf32>
        %mul3A_750 = arith.mulf %get3A_137, %get3A_749 : vector<16xf32>
        %add3A_751 = arith.addf %add3A_745, %mul3A_750 : vector<16xf32>
        %get3A_752 = arith.index_cast %add3A_734 : i32 to index
        %get3A_753 = arith.constant 48 : index
        %get3A_754 = tpu.vector_load %arg13[%get3A_752, %get3A_753] {strides = array<i32>} : memref<640x64xf32, #tpu.memory_space<vmem>>, vector<1x16xf32>,
        %get3A_755 = vector.shape_cast %get3A_754 : vector<1x16xf32> to vector<16xf32>
        %mul3A_756 = arith.mulf %get3A_141, %get3A_755 : vector<16xf32>
        %add3A_757 = arith.addf %add3A_751, %mul3A_756 : vector<16xf32>
        %add3A_758 = arith.constant 288 : i32
        %add3A_759 = arith.addi %mul3A_166, %add3A_758 : i32
        %swap3A_760 = arith.index_cast %add3A_759 : i32 to index
        %swap3A_761 = tpu.vector_load %arg14[%swap3A_760] {strides = array<i32>} : memref<10752xf32, #tpu.memory_space<vmem>>, vector<16xf32>,
        %swap3A_762 = vector.shape_cast %swap3A_761 : vector<16xf32> to vector<16xf32>
        %swap3A_763 = vector.shape_cast %add3A_757 : vector<16xf32> to vector<16xf32>
        tpu.vector_store %arg14[%swap3A_760], %swap3A_763 {strides = array<i32>} : memref<10752xf32, #tpu.memory_space<vmem>>, vector<16xf32>,
        %mul3A_764 = arith.constant 20 : i32
        %mul3A_765 = arith.muli %scan3A_126, %mul3A_764 : i32
        %add3A_766 = arith.constant 18 : i32
        %add3A_767 = arith.addi %mul3A_765, %add3A_766 : i32
        %get3A_768 = arith.index_cast %add3A_767 : i32 to index
        %get3A_769 = arith.constant 0 : index
        %get3A_770 = tpu.vector_load %arg13[%get3A_768, %get3A_769] {strides = array<i32>} : memref<640x64xf32, #tpu.memory_space<vmem>>, vector<1x16xf32>,
        %get3A_771 = vector.shape_cast %get3A_770 : vector<1x16xf32> to vector<16xf32>
        %mul3A_772 = arith.mulf %get3A_129, %get3A_771 : vector<16xf32>
        %get3A_773 = arith.index_cast %add3A_767 : i32 to index
        %get3A_774 = arith.constant 16 : index
        %get3A_775 = tpu.vector_load %arg13[%get3A_773, %get3A_774] {strides = array<i32>} : memref<640x64xf32, #tpu.memory_space<vmem>>, vector<1x16xf32>,
        %get3A_776 = vector.shape_cast %get3A_775 : vector<1x16xf32> to vector<16xf32>
        %mul3A_777 = arith.mulf %get3A_133, %get3A_776 : vector<16xf32>
        %add3A_778 = arith.addf %mul3A_772, %mul3A_777 : vector<16xf32>
        %get3A_779 = arith.index_cast %add3A_767 : i32 to index
        %get3A_780 = arith.constant 32 : index
        %get3A_781 = tpu.vector_load %arg13[%get3A_779, %get3A_780] {strides = array<i32>} : memref<640x64xf32, #tpu.memory_space<vmem>>, vector<1x16xf32>,
        %get3A_782 = vector.shape_cast %get3A_781 : vector<1x16xf32> to vector<16xf32>
        %mul3A_783 = arith.mulf %get3A_137, %get3A_782 : vector<16xf32>
        %add3A_784 = arith.addf %add3A_778, %mul3A_783 : vector<16xf32>
        %get3A_785 = arith.index_cast %add3A_767 : i32 to index
        %get3A_786 = arith.constant 48 : index
        %get3A_787 = tpu.vector_load %arg13[%get3A_785, %get3A_786] {strides = array<i32>} : memref<640x64xf32, #tpu.memory_space<vmem>>, vector<1x16xf32>,
        %get3A_788 = vector.shape_cast %get3A_787 : vector<1x16xf32> to vector<16xf32>
        %mul3A_789 = arith.mulf %get3A_141, %get3A_788 : vector<16xf32>
        %add3A_790 = arith.addf %add3A_784, %mul3A_789 : vector<16xf32>
        %add3A_791 = arith.constant 304 : i32
        %add3A_792 = arith.addi %mul3A_166, %add3A_791 : i32
        %swap3A_793 = arith.index_cast %add3A_792 : i32 to index
        %swap3A_794 = tpu.vector_load %arg14[%swap3A_793] {strides = array<i32>} : memref<10752xf32, #tpu.memory_space<vmem>>, vector<16xf32>,
        %swap3A_795 = vector.shape_cast %swap3A_794 : vector<16xf32> to vector<16xf32>
        %swap3A_796 = vector.shape_cast %add3A_790 : vector<16xf32> to vector<16xf32>
        tpu.vector_store %arg14[%swap3A_793], %swap3A_796 {strides = array<i32>} : memref<10752xf32, #tpu.memory_space<vmem>>, vector<16xf32>,
        %mul3A_797 = arith.constant 20 : i32
        %mul3A_798 = arith.muli %scan3A_126, %mul3A_797 : i32
        %add3A_799 = arith.constant 19 : i32
        %add3A_800 = arith.addi %mul3A_798, %add3A_799 : i32
        %get3A_801 = arith.index_cast %add3A_800 : i32 to index
        %get3A_802 = arith.constant 0 : index
        %get3A_803 = tpu.vector_load %arg13[%get3A_801, %get3A_802] {strides = array<i32>} : memref<640x64xf32, #tpu.memory_space<vmem>>, vector<1x16xf32>,
        %get3A_804 = vector.shape_cast %get3A_803 : vector<1x16xf32> to vector<16xf32>
        %mul3A_805 = arith.mulf %get3A_129, %get3A_804 : vector<16xf32>
        %get3A_806 = arith.index_cast %add3A_800 : i32 to index
        %get3A_807 = arith.constant 16 : index
        %get3A_808 = tpu.vector_load %arg13[%get3A_806, %get3A_807] {strides = array<i32>} : memref<640x64xf32, #tpu.memory_space<vmem>>, vector<1x16xf32>,
        %get3A_809 = vector.shape_cast %get3A_808 : vector<1x16xf32> to vector<16xf32>
        %mul3A_810 = arith.mulf %get3A_133, %get3A_809 : vector<16xf32>
        %add3A_811 = arith.addf %mul3A_805, %mul3A_810 : vector<16xf32>
        %get3A_812 = arith.index_cast %add3A_800 : i32 to index
        %get3A_813 = arith.constant 32 : index
        %get3A_814 = tpu.vector_load %arg13[%get3A_812, %get3A_813] {strides = array<i32>} : memref<640x64xf32, #tpu.memory_space<vmem>>, vector<1x16xf32>,
        %get3A_815 = vector.shape_cast %get3A_814 : vector<1x16xf32> to vector<16xf32>
        %mul3A_816 = arith.mulf %get3A_137, %get3A_815 : vector<16xf32>
        %add3A_817 = arith.addf %add3A_811, %mul3A_816 : vector<16xf32>
        %get3A_818 = arith.index_cast %add3A_800 : i32 to index
        %get3A_819 = arith.constant 48 : index
        %get3A_820 = tpu.vector_load %arg13[%get3A_818, %get3A_819] {strides = array<i32>} : memref<640x64xf32, #tpu.memory_space<vmem>>, vector<1x16xf32>,
        %get3A_821 = vector.shape_cast %get3A_820 : vector<1x16xf32> to vector<16xf32>
        %mul3A_822 = arith.mulf %get3A_141, %get3A_821 : vector<16xf32>
        %add3A_823 = arith.addf %add3A_817, %mul3A_822 : vector<16xf32>
        %add3A_824 = arith.constant 320 : i32
        %add3A_825 = arith.addi %mul3A_166, %add3A_824 : i32
        %swap3A_826 = arith.index_cast %add3A_825 : i32 to index
        %swap3A_827 = tpu.vector_load %arg14[%swap3A_826] {strides = array<i32>} : memref<10752xf32, #tpu.memory_space<vmem>>, vector<16xf32>,
        %swap3A_828 = vector.shape_cast %swap3A_827 : vector<16xf32> to vector<16xf32>
        %swap3A_829 = vector.shape_cast %add3A_823 : vector<16xf32> to vector<16xf32>
        tpu.vector_store %arg14[%swap3A_826], %swap3A_829 {strides = array<i32>} : memref<10752xf32, #tpu.memory_space<vmem>>, vector<16xf32>,
      }
      %scan3A_121 = arith.constant 32 : i32
      %mul3A_122 = arith.constant 21 : i32
      %mul3A_123 = arith.muli %add3A_11, %mul3A_122 : i32
      %mul3A_124 = arith.constant 16 : i32
      %mul3A_125 = arith.muli %mul3A_123, %mul3A_124 : i32
      "tpu.region"() ({
        %run_scoped3A = tpu.sem_alloc : memref<!tpu.dma_semaphore, #tpu.memory_space<semaphore_mem>>
        %dma_start3A_126 = tpu.memref_slice %arg7[%mul3A_125] : memref<5505024xf32, #tpu.memory_space<hbm>> -> memref<10752xf32, #tpu.memory_space<hbm>>
        %dma_start3A_127 = tpu.memref_slice %arg7[%mul3A_125] : memref<5505024xf32, #tpu.memory_space<hbm>> -> memref<10752xf32, #tpu.memory_space<hbm>>
        tpu.enqueue_dma source(%arg14 : memref<10752xf32, #tpu.memory_space<vmem>>) target(%dma_start3A_127 : memref<10752xf32, #tpu.memory_space<hbm>>) target_semaphore(%run_scoped3A : memref<!tpu.dma_semaphore, #tpu.memory_space<semaphore_mem>>)
        %dma_wait3A_128 = tpu.memref_slice %arg7[%mul3A_125] : memref<5505024xf32, #tpu.memory_space<hbm>> -> memref<10752xf32, #tpu.memory_space<hbm>>
        %dma_wait3A_129 = tpu.memref_slice %arg7[%mul3A_125] : memref<5505024xf32, #tpu.memory_space<hbm>> -> memref<10752xf32, #tpu.memory_space<hbm>>
        tpu.wait_dma2 semaphore(%run_scoped3A : memref<!tpu.dma_semaphore, #tpu.memory_space<semaphore_mem>>) src(%arg14 : memref<10752xf32, #tpu.memory_space<vmem>>) dst(%dma_wait3A_129 : memref<10752xf32, #tpu.memory_space<hbm>>)
        tpu.yield
      }) : () -> ()
    }
    %scan3A_7 = arith.constant 16 : i32
    return
  }
}

module attributes {stable_mosaic.version = 14 : i64} {
  func.func @body(%arg0: i32, %arg1: memref<2048x336xf32, #tpu.memory_space<vmem>>, %arg2: memref<1x1xf32, #tpu.memory_space<smem>>) attributes {dimension_semantics = [#tpu.dimension_semantics<arbitrary>], iteration_bounds = array<i64: 8>, scalar_prefetch = 0 : i64, scratch_operands = 0 : i64, tpu.core_type = #tpu.core_type<tc>, window_params = [{transform_indices = @transform_0, window_bounds = array<i64: 2048, 336>}, {transform_indices = @transform_1, window_bounds = array<i64: 1, 1>}]} {
    %get3A = arith.constant 0 : index
    %get3A_0 = arith.constant 0 : index
    %get3A_1 = vector.load %arg1[%get3A, %get3A_0] : memref<2048x336xf32, #tpu.memory_space<vmem>>, vector<2048x336xf32>
    %iota3A = tpu.iota {dimensions = array<i32: 0>} : vector<336x128xi32>
    %iota3A_2 = tpu.iota {dimensions = array<i32: 1>} : vector<336x128xi32>
    %jit3A = arith.constant 16 : i32
    %div3A = vector.broadcast %jit3A : i32 to vector<336x128xi32>
    %div3A_3 = arith.divsi %iota3A, %div3A : vector<336x128xi32>
    %sign3A = arith.constant 0 : i32
    %sign3A_4 = vector.broadcast %sign3A : i32 to vector<336x128xi32>
    %sign3A_5 = arith.cmpi sgt, %iota3A, %sign3A_4 : vector<336x128xi32>
    %sign3A_6 = arith.extui %sign3A_5 : vector<336x128xi1> to vector<336x128xi32>
    %sign3A_7 = arith.constant 0 : i32
    %sign3A_8 = vector.broadcast %sign3A_7 : i32 to vector<336x128xi32>
    %sign3A_9 = arith.cmpi slt, %iota3A, %sign3A_8 : vector<336x128xi32>
    %sign3A_10 = arith.extui %sign3A_9 : vector<336x128xi1> to vector<336x128xi32>
    %sign3A_11 = arith.subi %sign3A_6, %sign3A_10 : vector<336x128xi32>
    %sign3A_12 = arith.constant 0 : i32
    %sign3A_13 = arith.cmpi sgt, %jit3A, %sign3A_12 : i32
    %sign3A_14 = arith.extui %sign3A_13 : i1 to i32
    %sign3A_15 = arith.constant 0 : i32
    %sign3A_16 = arith.cmpi slt, %jit3A, %sign3A_15 : i32
    %sign3A_17 = arith.extui %sign3A_16 : i1 to i32
    %sign3A_18 = arith.subi %sign3A_14, %sign3A_17 : i32
    %ne3A = vector.broadcast %sign3A_18 : i32 to vector<336x128xi32>
    %ne3A_19 = arith.cmpi ne, %sign3A_11, %ne3A : vector<336x128xi32>
    %rem3A = vector.broadcast %jit3A : i32 to vector<336x128xi32>
    %rem3A_20 = arith.remsi %iota3A, %rem3A : vector<336x128xi32>
    %ne3A_21 = arith.constant 0 : i32
    %ne3A_22 = vector.broadcast %ne3A_21 : i32 to vector<336x128xi32>
    %ne3A_23 = arith.cmpi ne, %rem3A_20, %ne3A_22 : vector<336x128xi32>
    %and3A = arith.andi %ne3A_19, %ne3A_23 : vector<336x128xi1>
    %sub3A = arith.constant 1 : i32
    %sub3A_24 = vector.broadcast %sub3A : i32 to vector<336x128xi32>
    %sub3A_25 = arith.subi %div3A_3, %sub3A_24 : vector<336x128xi32>
    %select_n3A = arith.select %and3A, %sub3A_25, %div3A_3 : vector<336x128xi1>, vector<336x128xi32>
    %eq3A = arith.cmpi eq, %select_n3A, %iota3A_2 : vector<336x128xi32>
    %convert_element_type3A = arith.extui %eq3A : vector<336x128xi1> to vector<336x128xi32>
    %convert_element_type3A_26 = arith.sitofp %convert_element_type3A : vector<336x128xi32> to vector<336x128xf32>
    %dot_general3A = arith.constant dense<0.000000e+00> : vector<2048x128xf32>
    %dot_general3A_27 = tpu.matmul %get3A_1, %convert_element_type3A_26, %dot_general3A {dimension_numbers = #tpu.dot_dimension_numbers<[1], [0], [0], [1], [0, 0, 1, 1], [], []>, transpose_lhs_hint = false} : vector<2048x336xf32>, vector<336x128xf32>, vector<2048x128xf32> -> vector<2048x128xf32>
    %iota3A_28 = tpu.iota {dimensions = array<i32: 1>} : vector<2048x128xi32>
    %eq3A_29 = arith.constant 0 : i32
    %eq3A_30 = vector.broadcast %eq3A_29 : i32 to vector<2048x128xi32>
    %eq3A_31 = arith.cmpi eq, %iota3A_28, %eq3A_30 : vector<2048x128xi32>
    %neg3A = arith.constant 0.000000e+00 : f32
    %neg3A_32 = vector.broadcast %neg3A : f32 to vector<2048x128xf32>
    %neg3A_33 = arith.subf %neg3A_32, %dot_general3A_27 : vector<2048x128xf32>
    %select_n3A_34 = arith.select %eq3A_31, %dot_general3A_27, %neg3A_33 : vector<2048x128xi1>, vector<2048x128xf32>
    %logistic3A = arith.negf %select_n3A_34 : vector<2048x128xf32>
    %logistic3A_35 = math.exp %logistic3A : vector<2048x128xf32>
    %logistic3A_36 = arith.constant 1.000000e+00 : f32
    %logistic3A_37 = vector.broadcast %logistic3A_36 : f32 to vector<2048x128xf32>
    %logistic3A_38 = arith.addf %logistic3A_37, %logistic3A_35 : vector<2048x128xf32>
    %logistic3A_39 = arith.divf %logistic3A_37, %logistic3A_38 : vector<2048x128xf32>
    %add3A = arith.constant 1.000000e-10 : f32
    %add3A_40 = vector.broadcast %add3A : f32 to vector<2048x128xf32>
    %add3A_41 = arith.addf %logistic3A_39, %add3A_40 : vector<2048x128xf32>
    %log3A = math.log %add3A_41 : vector<2048x128xf32>
    %lt3A = arith.constant 21 : i32
    %lt3A_42 = vector.broadcast %lt3A : i32 to vector<2048x128xi32>
    %lt3A_43 = arith.cmpi slt, %iota3A_28, %lt3A_42 : vector<2048x128xi32>
    %jit3A_44 = arith.constant 0.000000e+00 : f32
    %broadcast_in_dim3A = vector.broadcast %jit3A_44 : f32 to vector<2048x128xf32>
    %select_n3A_45 = arith.select %lt3A_43, %log3A, %broadcast_in_dim3A : vector<2048x128xi1>, vector<2048x128xf32>
    %reduce_sum3A = vector.shape_cast %select_n3A_45 : vector<2048x128xf32> to vector<1x2048x128xf32>
    %reduce_sum3A_46 = arith.constant dense<0.000000e+00> : vector<1xf32>
    %reduce_sum3A_47 = vector.multi_reduction <add>, %reduce_sum3A, %reduce_sum3A_46 [1, 2] : vector<1x2048x128xf32> to vector<1xf32>
    %reduce_sum3A_48 = vector.shape_cast %reduce_sum3A_47 : vector<1xf32> to vector<1x1x1xf32>
    %reduce_sum3A_49 = vector.extract %reduce_sum3A_48[0, 0, 0] : f32 from vector<1x1x1xf32>
    %eq3A_50 = arith.constant 0 : i32
    %eq3A_51 = arith.cmpi eq, %arg0, %eq3A_50 : i32
    %convert_element_type3A_52 = arith.extui %eq3A_51 : i1 to i32
    %cond3A = arith.constant 0 : i32
    %cond3A_53 = arith.cmpi ne, %convert_element_type3A_52, %cond3A : i32
    scf.if %cond3A_53 {
      %swap3A_65 = arith.constant 0.000000e+00 : f32
      %swap3A_66 = arith.constant 0 : index
      %swap3A_67 = arith.constant 0 : index
      %swap3A_68 = memref.load %arg2[%swap3A_66, %swap3A_67] : memref<1x1xf32, #tpu.memory_space<smem>>
      memref.store %swap3A_65, %arg2[%swap3A_66, %swap3A_67] : memref<1x1xf32, #tpu.memory_space<smem>>
    } else {
    }
    %get3A_54 = arith.constant 0 : index
    %get3A_55 = arith.constant 0 : index
    %get3A_56 = memref.load %arg2[%get3A_54, %get3A_55] : memref<1x1xf32, #tpu.memory_space<smem>>
    %add3A_57 = arith.addf %get3A_56, %reduce_sum3A_49 : f32
    %swap3A = arith.constant 0 : index
    %swap3A_58 = arith.constant 0 : index
    %swap3A_59 = memref.load %arg2[%swap3A, %swap3A_58] : memref<1x1xf32, #tpu.memory_space<smem>>
    memref.store %add3A_57, %arg2[%swap3A, %swap3A_58] : memref<1x1xf32, #tpu.memory_space<smem>>
    %eq3A_60 = arith.constant 7 : i32
    %eq3A_61 = arith.cmpi eq, %arg0, %eq3A_60 : i32
    %convert_element_type3A_62 = arith.extui %eq3A_61 : i1 to i32
    %cond3A_63 = arith.constant 0 : i32
    %cond3A_64 = arith.cmpi ne, %convert_element_type3A_62, %cond3A_63 : i32
    scf.if %cond3A_64 {
      %get3A_65 = arith.constant 0 : index
      %get3A_66 = arith.constant 0 : index
      %get3A_67 = memref.load %arg2[%get3A_65, %get3A_66] : memref<1x1xf32, #tpu.memory_space<smem>>
      %mul3A = arith.constant -6.10351563E-5 : f32
      %mul3A_68 = arith.mulf %get3A_67, %mul3A : f32
      %swap3A_69 = arith.constant 0 : index
      %swap3A_70 = arith.constant 0 : index
      %swap3A_71 = memref.load %arg2[%swap3A_69, %swap3A_70] : memref<1x1xf32, #tpu.memory_space<smem>>
      memref.store %mul3A_68, %arg2[%swap3A_69, %swap3A_70] : memref<1x1xf32, #tpu.memory_space<smem>>
    } else {
    }
    return
  }
  func.func @transform_0(%arg0: i32) -> (i32, i32) {
    %c0_i32 = arith.constant 0 : i32
    %c0_i32_0 = arith.constant 0 : i32
    return %arg0, %c0_i32 : i32, i32
  }
  func.func @transform_1(%arg0: i32) -> (i32, i32) {
    %c0_i32 = arith.constant 0 : i32
    %c0_i32_0 = arith.constant 0 : i32
    %c0_i32_1 = arith.constant 0 : i32
    return %c0_i32, %c0_i32_0 : i32, i32
  }
}

</mosaic_0001>

<sc_bundles>
// kernel: kernel.4.cloned.1.call-start
scs
__scs_entry_jumppad:
0x0: {  	(pc) =	sbr.rel $0x88, $3  }
0x1: {  	(tag) =	ssettag $0x0;
	lr =	simm.s32 $0x1  }
0x2: {  	[smem:$0x3F9C] =	sst lr;
	_ =	strace $0xD0000000  }
0x3: {  	_ = 	snop  }
0x4: {  	_ = 	snop  }
0x5: {  	_ = 	snop  }
0x6: {  	_ = 	snop  }
0x7: {  	_ = 	snop  }
__scs_overlays_trampoline_lowered:
0x8: {  	[smem:$0x3FAB] =	sst s0  }
0x9: {  	[smem:$0x3FAC] =	sst s1  }
0xa: {  	[smem:$0x3FAD] =	sst s2  }
0xb: {  	[smem:$0x3FAE] =	sst s3  }
0xc: {  	[smem:$0x3FAF] =	sst s4  }
0xd: {  	[smem:$0x3FB0] =	sst s5  }
0xe: {  	[smem:$0x3FB1] =	sst s6  }
0xf: {  	[smem:$0x3FB2] =	sst s7  }
0x10: {  	[smem:$0x3FB3] =	sst s8  }
0x11: {  	[smem:$0x3FB4] =	sst s9;
	s0 =	simm.s32 @!p0 $0x0  }
0x12: {  	s1 =	sld [smem:$0x3F9A];
	s0 =	simm.s32 @p0 $0x1  }
0x13: {  	[smem:$0x3FB5] =	sst s0;
	s0 =	simm.s32 @!p1 $0x0  }
0x14: {  	s2 =	sld [smem:$0x3F99];
	s0 =	simm.s32 @p1 $0x1  }
0x15: {  	[smem:$0x3FB6] =	sst s0;
	s0 =	simm.s32 @!p2 $0x0  }
0x16: {  	s3 =	sld [smem:$0x3FDB];
	s0 =	simm.s32 @p2 $0x1  }
0x17: {  	s4 =	simm.s32 $0x1BF5;
	[smem:$0x3FB8] =	sst s0  }
0x18: {  	s0 =	sld [smem:$0x3F9B];
	_ =	swait.ge [sflag:s4], $0x0  }
0x19: {  	s7 =	sld [smem:$0x3F9C]  }
0x1a: {  	s8 =	sadd.s32 $0xFFFFE003, lr  }
0x1b: {  	s9 =	sadd.s32 $0xFFFFFEF7, lr;
	s5 =	simm.s32 $0xFFFFFFFF;
	p2 =	slt.u32 s8, $0xFFFFF086  }
0x1c: {  	p1 =	slt.u32 s9, $0xF7A;
	s5 =	simm.s32 @!p2 $0x0  }
0x1d: {  	s5 =	simm.s32 @p1 $0x1;
	p0 =	seq.s32 s7, s2  }
0x1e: {  	s7 =	smul.u32 @!p0 $0xF7A, s2;
	p2 =	seq.s32 @!p0 s5, $0x0  }
0x1f: {  	s9 =	smul.u32 $0xF7A, s1;
	s8 =	simm.s32 @!p0 $0x1BF5;
	p2 =	por !p2, p0  }
0x20: {  	[sflag:s8] =	ssyncset.s32 @!p0 $0xFFFFF086;
	s6 =	sadd.s32 @!p0 s3, s7;
	s7 =	simm.s32 @!p0 $0x108  }
0x21: {  	s3 =	sadd.s32 s3, s9;
	s6 =	sadd.s32 @!p0 $0x88, s6;
	s7 =	simm.s32 @p2 $0x1082  }
0x22: {  	[simem:s7], [sflag:s8] =	dma.local @!p0 [hbm:s6], $0xF7A  }
0x23: {  	s9 =	sor.u32 $0xD0000000, s2;
	s6 =	simm.s32 $0x108;
	_ =	swait.ge @!p0 [sflag:s8], $0x0  }
0x24: {  	s3 =	sadd.s32 $0x88, s3;
	s6 =	simm.s32 @!p1 $0x1082;
	[sflag:s4] =	ssyncset.s32 $0xFFFFF086  }
0x25: {  	[simem:s6], [sflag:s4] =	dma.local [hbm:s3], $0xF7A  }
0x26: {  	[smem:$0x3F9C] =	sst s1;
	(tag) =	ssettag s2;
	_ =	strace s9  }
0x27: {  	s1 =	sld [smem:$0x3FAC]  }
0x28: {  	s2 =	sld [smem:$0x3FAD]  }
0x29: {  	s4 =	sld [smem:$0x3FAF]  }
0x2a: {  	p0 =	seq.s32 s5, $0x0;
	s5 =	sld [smem:$0x3FB0]  }
0x2b: {  	s6 =	sld [smem:$0x3FB1]  }
0x2c: {  	s7 =	sld [smem:$0x3FB2]  }
0x2d: {  	s3 =	simm.s32 $0x108;
	s8 =	sld [smem:$0x3FB3]  }
0x2e: {  	s3 =	simm.s32 @!p0 $0x1082;
	s9 =	sld [smem:$0x3FB4]  }
0x2f: {  	lr =	sadd.s32 s0, s3;
	s0 =	sld [smem:$0x3FAB]  }
0x30: {  	s3 =	sld [smem:$0x3FAE]  }
0x31: {  	[smem:$0x3FB7] =	sst s10  }
0x32: {  	s10 =	sld [smem:$0x3FB5];
	_ =	sdelay $0x3  }
0x33: {  	p0 =	seq.s32 s10, $0x1;
	s10 =	sld [smem:$0x3FB7];
	_ =	sdelay $0x3  }
0x34: {  	[smem:$0x3FB7] =	sst s10  }
0x35: {  	s10 =	sld [smem:$0x3FB6];
	_ =	sdelay $0x3  }
0x36: {  	p1 =	seq.s32 s10, $0x1;
	s10 =	sld [smem:$0x3FB7];
	_ =	sdelay $0x3  }
0x37: {  	[smem:$0x3FB7] =	sst s10  }
0x38: {  	s10 =	sld [smem:$0x3FB8]  }
0x39: {  	_ = 	snop;
	(pc) =	sbr.ind lr, $3  }
0x3a: {  	_ = 	snop  }
0x3b: {  	_ = 	snop  }
0x3c: {  	p2 =	seq.s32 s10, $0x1;
	s10 =	sld [smem:$0x3FB7]  }
0x3d: {  	_ =	shalt  }
0x3e: {  	_ =	shalt  }
0x3f: {  	_ =	shalt  }
0x40: {  	_ =	shalt  }
0x41: {  	_ =	shalt  }
0x42: {  	_ =	shalt  }
0x43: {  	_ =	shalt  }
0x44: {  	_ =	shalt  }
0x45: {  	_ =	shalt  }
0x46: {  	_ =	shalt  }
0x47: {  	_ =	shalt  }
0x48: {  	_ =	shalt  }
0x49: {  	_ =	shalt  }
0x4a: {  	_ =	shalt  }
0x4b: {  	_ =	shalt  }
0x4c: {  	_ =	shalt  }
0x4d: {  	_ =	shalt  }
0x4e: {  	_ =	shalt  }
0x4f: {  	_ =	shalt  }
0x50: {  	_ =	shalt  }
0x51: {  	_ =	shalt  }
0x52: {  	_ =	shalt  }
0x53: {  	_ =	shalt  }
0x54: {  	_ =	shalt  }
0x55: {  	_ =	shalt  }
0x56: {  	_ =	shalt  }
0x57: {  	_ =	shalt  }
0x58: {  	_ =	shalt  }
0x59: {  	_ =	shalt  }
0x5a: {  	_ =	shalt  }
0x5b: {  	_ =	shalt  }
0x5c: {  	_ =	shalt  }
0x5d: {  	_ =	shalt  }
0x5e: {  	_ =	shalt  }
0x5f: {  	_ =	shalt  }
0x60: {  	_ =	shalt  }
0x61: {  	_ =	shalt  }
0x62: {  	_ =	shalt  }
0x63: {  	_ =	shalt  }
0x64: {  	_ =	shalt  }
0x65: {  	_ =	shalt  }
0x66: {  	_ =	shalt  }
0x67: {  	_ =	shalt  }
0x68: {  	_ =	shalt  }
0x69: {  	_ =	shalt  }
0x6a: {  	_ =	shalt  }
0x6b: {  	_ =	shalt  }
0x6c: {  	_ =	shalt  }
0x6d: {  	_ =	shalt  }
0x6e: {  	_ =	shalt  }
0x6f: {  	_ =	shalt  }
0x70: {  	_ =	shalt  }
0x71: {  	_ =	shalt  }
0x72: {  	_ =	shalt  }
0x73: {  	_ =	shalt  }
0x74: {  	_ =	shalt  }
0x75: {  	_ =	shalt  }
0x76: {  	_ =	shalt  }
0x77: {  	_ =	shalt  }
0x78: {  	_ =	shalt  }
0x79: {  	_ =	shalt  }
0x7a: {  	_ =	shalt  }
0x7b: {  	_ =	shalt  }
0x7c: {  	_ =	shalt  }
0x7d: {  	_ =	shalt  }
0x7e: {  	_ =	shalt  }
0x7f: {  	_ =	shalt  }
0x80: {  	_ =	shalt  }
0x81: {  	_ =	shalt  }
0x82: {  	_ =	shalt  }
0x83: {  	_ =	shalt  }
0x84: {  	_ =	shalt  }
0x85: {  	_ =	shalt  }
0x86: {  	_ =	shalt  }
0x87: {  	_ =	shalt  }
.Lfunc_end0:
.L_simem_size_0:
called_computation_lowered:
.L_overlay_start_0:
0x88: {  	s2 =	sld [smem:$0x3FD9]  }
0x89: {  	s3 =	sld [smem:$0x3FFE];
	_ =	sdelay $0x1  }
0x8a: {  	s1 =	srdreg.scid  }
0x8b: {  	s0 =	sand.u32 $0x1, s1  }
0x8c: {  	s17 =	sshll.u32 s0, $0xA;
	s2 =	sadd.s32 s3, s2  }
0x8d: {  	s2 =	sadd.s32 s2, s17  }
0x8e: {  	[smem:$0x3FC3] =	sst s2  }
0x8f: {  	_ = 	snop  }
0x90: {  	s2 =	sld [smem:$0x3FC9]  }
0x91: {  	s18 =	sld [smem:$0x3FC8];
	(tm) =	ssettm $0x1  }
0x92: {  	s4 =	sld [smem:$0x3FFB];
	_ =	sdelay $0x3  }
0x93: {  	_ =	strace s4  }
0x94: {  	s4 =	sld [smem:$0x3FFC];
	_ =	sdelay $0x3  }
0x95: {  	_ =	strace s4  }
0x96: {  	s4 =	sld [smem:$0x3FFD];
	_ =	sdelay $0x3  }
0x97: {  	_ =	strace s4  }
0x98: {  	_ =	strace $0x8FFFFFFF  }
0x99: {  	s19 =	sld [smem:$0x3FDB];
	_ =	sdelay $0x1  }
0x9a: {  	s5 =	simm.s32 $_scs_section_size  }
0x9b: {  	s6 =	simm.s32 $_size__tile_overlayer_lowered;
	s7 =	simm.s32 $_tile_overlayer_lowered  }
0x9c: {  	s22 =	simm.s32 $0x1BFF;
	s21 =	sshll.u32 s7, $0x1;
	s4 =	sadd.s32 s5, s19  }
0x9d: {  	s8 =	simm.s32 $0x0;
	s20 =	sshll.u32 s6, $0x1;
	s6 =	sadd.s32 s21, s4  }
0x9e: {  	[timem:s8], [sflag:s22] =	dma.local [hbm:s6], s20  }
0x9f: {  	_ =	swait.ge [sflag:s22], s20  }
0xa0: {  	s5 =	ssub.s32 $0x0, s20;
	[sflag:s22] =	ssyncset.done $0x0  }
0xa1: {  	[sflag:s22] =	ssyncadd.s32 s5;
	_ =	sdelay $0x1  }
0xa2: {  	s23 =	simm.s32 $0x1B8B  }
0xa3: {  	_ =	swait.ge [sflag:s23], $0x1  }
0xa4: {  	[sflag:s23] =	ssyncset.done $0x0  }
0xa5: {  	s25 =	simm.s32 $0x1B8E;
	s24 =	sld [smem:$0x3FFE];
	[sflag:s23] =	ssyncadd.s32 $0xFFFFFFFF  }
0xa6: {  	s26 =	simm.s32 $execute0_lowered;
	[smem:$0x3FD2] =	sst s25  }
0xa7: {  	s6 =	sshll.u32 s26, $0x1;
	_ =	strace $0x80000046;
	[dreg:$0x1] =	wrdreg $0xFFFFFFFF  }
0xa8: {  	s28 =	simm.s32 $_size_execute0_lowered;
	s4 =	sadd.s32 s4, s6;
	[dreg:$0x0] =	wrdreg $0x0  }
0xa9: {  	s6 =	sshll.u32 s28, $0x1;
	[dreg:$0x2] =	wrdreg s4  }
0xaa: {  	[dreg:$0x3] =	wrdreg s6  }
0xab: {  	[dreg:$0x4] =	wrdreg $0xC0  }
0xac: {  	_ =	task [dreg:s8], $0x5FFFF  }
0xad: {  	[dreg:$0x1] =	wrdreg $0xFFFFFFFF  }
0xae: {  	[dreg:$0x0] =	wrdreg $0x60  }
0xaf: {  	[dreg:$0x2] =	wrdreg s2  }
0xb0: {  	[dreg:$0x3] =	wrdreg s18  }
0xb1: {  	[dreg:$0x4] =	wrdreg s24  }
0xb2: {  	[dreg:$0x5] =	wrdreg $0x9  }
0xb3: {  	_ =	task.clear_ibuf [dreg:s8], $0x6FFFF;
	_ =	strace $0x90000046  }
0xb4: {  	s29 =	simm.s32 $0x9;
	_ =	strace $0x80000048  }
0xb5: {  	_ =	swait.ge [sflag:s29], $0x1  }
0xb6: {  	[sflag:s29] =	ssyncadd.s32 $0xFFFFFFFF  }
0xb7: {  	_ =	strace $0x90000048  }
0xb8: {  	_ =	sfence  }
0xb9: {  	s30 =	sld [smem:$0x0];
	_ =	sdelay $0x2  }
0xba: {  	s31 =	sshll.u32 s1, $0xD;
	s1 =	sshrl.u32 s1, $0x2  }
0xbb: {  	s3 =	sand.u32 $0x4000, s31;
	s1 =	sadd.s32 s1, s30  }
0xbc: {  	s0 =	sor.u32 s3, s0;
	s1 =	sshll.u32 s1, $0x11  }
0xbd: {  	s0 =	sor.u32 s1, s0  }
0xbe: {  	s0 =	sadd.s32 $0x8F2B, s0  }
0xbf: {  	[sflag:s0] =	ssyncadd.remote.s32 $0x1  }
0xc0: {  	_ =	sfence.sel $0xFFFF  }
0xc1: {  	[dreg:$0x0] =	wrdreg $0xFFFFFFFF;
	(pc) =	sbr.abs _section_cstart, $3  }
0xc2: {  	[dreg:$0x1] =	wrdreg $0xFFFFFFFF  }
0xc3: {  	_ =	task.clear_ibuf [dreg:s8], $0x2FFFF;
	_ =	strace $0x9FFFFFFF  }
0xc4: {  	(tm) =	ssettm $0x7FFFFFFF  }
0xc5: {  	_ =	shalt  }
tec
execute0_lowered:
.L_overlay_start_1:
0x0: {  	(tag) =	ssettag $0x1  }
0x1: {  	s0 =	rddreg [dreg:$0x2]  }
0x2: {  	s3 =	simm.s32 $0x0;
	s1 =	srdreg.scid;
	s2 =	stileid.u32  }
0x3: {  	s11 =	simm.s32 $0x20;
	s12 =	simm.s32 $0x40;
	s13 =	simm.s32 $0x1  }
0x4: {  	s14 =	simm.s32 $0x2C0;
	s15 =	simm.s32 $0xAC0;
	s16 =	simm.s32 $0x80  }
0x5: {  	s17 =	simm.s32 $0x12C0;
	s18 =	simm.s32 $0xC0;
	s19 =	simm.s32 $0x32C0  }
0x6: {  	s20 =	simm.s32 $0x140;
	s21 =	simm.s32 $0x52C0;
	s22 =	simm.s32 $0x1C0  }
0x7: {  	s23 =	simm.s32 $0x72C0;
	s24 =	simm.s32 $0x240;
	s25 =	simm.s32 $0x92C0  }
0x8: {  	s26 =	simm.s32 $0xB2C0;
	s28 =	simm.s32 $0x2;
	s1 =	sand.u32 $0x1, s1  }
0x9: {  	[smem:$0x7FF] =	sst s3;
	s5 =	sadd.s32 $0x600, s0;
	s4 =	ssub.s32 $0x2, s1  }
0xa: {  	s6 =	sadd.s32 $0x16E3C00, s0;
	s7 =	sadd.s32 $0xF42A00, s0;
	s8 =	sshrl.u32 s4, $0x1  }
0xb: {  	s9 =	sshll.u32 s2, $0xA;
	s1 =	sshll.u32 s1, $0x9;
	s4 =	ssub.s32 s4, s8  }
0xc: {  	_ =	strace $0x80000047;
	s9 =	sor.u32 s1, s9;
	s31 =	smax.u32 s4, $0x1  }
0xd: {  	s1 =	simm.s32 $0x0;
	s8 =	sadd.s32 $0xA600, s0;
	[dreg:$0x4] =	wrdreg s31  }
.LBB2_1:
0xe: {  	[dreg:$0x5] =	wrdreg s1;
	s30 =	simm.s32 $0x0  }
.LBB2_2:
0xf: {  	s0 =	sshll.u32 s30, $0x5  }
0x10: {  	s31 =	sadd.s32 s9, s0  }
0x11: {  	s1 =	rddreg [dreg:$0x0];
	s4 =	simm.s32 $0x0;
	s0 =	sshrl.u32 s31, $0x3  }
0x12: {  	s2 =	rddreg [dreg:$0x1];
	s10 =	smul.u32 $0x14, s31;
	s1 =	sadd.s32 s1, s0  }
0x13: {  	[tilespmem:s4], [sflag:$0x1] =	stream.linear.gather [hbm4b:s1+s4], $0x20, $0x38;
	[tilespmem:$0xDCC0] =	vst v63  }
0x14: {  	s0 =	sadd.s32 s2, s0;
	s2 =	sshrl.u32 s10, $0x3  }
0x15: {  	[tilespmem:s11], [sflag:$0x1] =	stream.linear.gather [hbm4b:s0+s4], $0x20, $0x38;
	[tilespmem:$0xDCC0] =	vst v63  }
0x16: {  	s0 =	sadd.s32 s5, s2  }
0x17: {  	[tilespmem:s12], [sflag:$0x1] =	stream.linear.gather [hbm4b:s0+s4], $0x280, $0x38;
	[tilespmem:$0xDCC0] =	vst v63  }
0x18: {  	_ =	swait.ge [sflag:s13], $0x20  }
0x19: {  	[sflag:s13] =	ssyncset.done $0x0  }
0x1a: {  	[sflag:s13] =	ssyncadd.s32 $0xFFFFFFE0  }
0x1b: {  	_ =	swait.ge [sflag:s13], $0x20  }
0x1c: {  	[sflag:s13] =	ssyncset.done $0x0  }
0x1d: {  	[sflag:s13] =	ssyncadd.s32 $0xFFFFFFE0  }
0x1e: {  	_ =	swait.ge [sflag:s13], $0x280  }
0x1f: {  	[sflag:s13] =	ssyncset.done $0x0  }
0x20: {  	[sflag:s13] =	ssyncadd.s32 $0xFFFFFD80  }
0x21: {  	[tilespmem:s14], [sflag:$0x1] =	stream.indirect.gather [hbm4b:s6+s11], $0x40, s4, s11, $0xb8;
	[tilespmem:$0xDCC0] =	vst v63  }
0x22: {  	_ = 	snop  }
0x23: {  	[tilespmem:s15], [sflag:$0x1] =	stream.indirect.gather [hbm4b:s7+s11], $0x40, s11, s11, $0xb8;
	[tilespmem:$0xDCC0] =	vst v63  }
0x24: {  	_ = 	snop  }
0x25: {  	[tilespmem:s17], [sflag:$0x1] =	stream.indirect.gather [hbm4b:s7+s16], $0x40, s12, s16, $0xb8;
	[tilespmem:$0xDCC0] =	vst v63  }
0x26: {  	_ = 	snop  }
0x27: {  	[tilespmem:s19], [sflag:$0x1] =	stream.indirect.gather [hbm4b:s7+s16], $0x40, s18, s16, $0xb8;
	[tilespmem:$0xDCC0] =	vst v63  }
0x28: {  	_ = 	snop  }
0x29: {  	[tilespmem:s21], [sflag:$0x1] =	stream.indirect.gather [hbm4b:s7+s16], $0x40, s20, s16, $0xb8;
	[tilespmem:$0xDCC0] =	vst v63  }
0x2a: {  	_ = 	snop  }
0x2b: {  	[tilespmem:s23], [sflag:$0x1] =	stream.indirect.gather [hbm4b:s7+s16], $0x40, s22, s16, $0xb8;
	[tilespmem:$0xDCC0] =	vst v63  }
0x2c: {  	_ = 	snop  }
0x2d: {  	[tilespmem:s25], [sflag:$0x1] =	stream.indirect.gather [hbm4b:s7+s16], $0x40, s24, s16, $0xb8;
	[tilespmem:$0xDCC0] =	vst v63  }
0x2e: {  	_ =	swait.ge [sflag:s13], $0x800  }
0x2f: {  	[sflag:s13] =	ssyncset.done $0x0  }
0x30: {  	[sflag:s13] =	ssyncadd.s32 $0xFFFFF800  }
0x31: {  	_ =	swait.ge [sflag:s13], $0x800  }
0x32: {  	[sflag:s13] =	ssyncset.done $0x0  }
0x33: {  	[sflag:s13] =	ssyncadd.s32 $0xFFFFF800  }
0x34: {  	_ =	swait.ge [sflag:s13], $0x2000  }
0x35: {  	[sflag:s13] =	ssyncset.done $0x0  }
0x36: {  	[sflag:s13] =	ssyncadd.s32 $0xFFFFE000  }
0x37: {  	_ =	swait.ge [sflag:s13], $0x2000  }
0x38: {  	[sflag:s13] =	ssyncset.done $0x0  }
0x39: {  	[sflag:s13] =	ssyncadd.s32 $0xFFFFE000  }
0x3a: {  	_ =	swait.ge [sflag:s13], $0x2000  }
0x3b: {  	[sflag:s13] =	ssyncset.done $0x0  }
0x3c: {  	[sflag:s13] =	ssyncadd.s32 $0xFFFFE000  }
0x3d: {  	_ =	swait.ge [sflag:s13], $0x2000  }
0x3e: {  	[sflag:s13] =	ssyncset.done $0x0  }
0x3f: {  	[sflag:s13] =	ssyncadd.s32 $0xFFFFE000  }
0x40: {  	_ =	swait.ge [sflag:s13], $0x2000  }
0x41: {  	[sflag:s13] =	ssyncset.done $0x0  }
0x42: {  	s10 =	simm.s32 $0x0;
	[sflag:s13] =	ssyncadd.s32 $0xFFFFE000  }
0x43: {  	v4 =	vld [tilespmem:s10+$0xAC0]  }
0x44: {  	v0 =	vld [tilespmem:s10+$0x2D0]  }
0x45: {  	v5 =	vld [tilespmem:s10+$0xAD0]  }
0x46: {  	v2 =	vld [tilespmem:s10+$0x2C0]  }
0x47: {  	v6 =	vld [tilespmem:s10+$0xAE0]  }
0x48: {  	v1 =	vld [tilespmem:s10+$0x2E0]  }
0x49: {  	v7 =	vld [tilespmem:s10+$0xAF0]  }
0x4a: {  	v3 =	vld [tilespmem:s10+$0x2F0]  }
0x4b: {  	v4 =	vmul.f32 v4, v2;
	v5 =	vmul.f32 v5, v0;
	_ =	sdelay $0x1  }
0x4c: {  	v4 =	vadd.f32 v5, v4;
	v5 =	vmul.f32 v6, v1;
	_ =	sdelay $0x1  }
0x4d: {  	v4 =	vadd.f32 v5, v4;
	v5 =	vmul.f32 v7, v3;
	_ =	sdelay $0x1  }
0x4e: {  	v4 =	vadd.f32 v5, v4  }
0x4f: {  	s0 =	simm.s32 $0xB360  }
0x50: {  	s4 =	simm.s32 $0x1540;
	[tilespmem:s0+$0xFFFFFF60] =	vst v4  }
0x51: {  	v4 =	vld [tilespmem:s4+$0xFFFFFD80]  }
0x52: {  	v5 =	vld [tilespmem:s4+$0xFFFFFD90];
	_ =	sdelay $0x1  }
0x53: {  	v6 =	vld [tilespmem:s4+$0xFFFFFDA0];
	_ =	sdelay $0x1  }
0x54: {  	v7 =	vld [tilespmem:s4+$0xFFFFFDB0]  }
0x55: {  	v4 =	vmul.f32 v4, v2;
	v5 =	vmul.f32 v5, v0;
	_ =	sdelay $0x1  }
0x56: {  	v4 =	vadd.f32 v5, v4;
	v5 =	vmul.f32 v6, v1;
	_ =	sdelay $0x1  }
0x57: {  	v4 =	vadd.f32 v5, v4;
	v5 =	vmul.f32 v7, v3;
	_ =	sdelay $0x1  }
0x58: {  	v4 =	vadd.f32 v5, v4;
	_ =	sdelay $0x1  }
0x59: {  	[tilespmem:s0+$0xFFFFFF70] =	vst v4  }
0x5a: {  	v4 =	vld [tilespmem:s4+$0xFFFFFDC0]  }
0x5b: {  	v5 =	vld [tilespmem:s4+$0xFFFFFDD0];
	_ =	sdelay $0x1  }
0x5c: {  	v6 =	vld [tilespmem:s4+$0xFFFFFDE0];
	_ =	sdelay $0x1  }
0x5d: {  	v7 =	vld [tilespmem:s4+$0xFFFFFDF0]  }
0x5e: {  	v4 =	vmul.f32 v4, v2;
	v5 =	vmul.f32 v5, v0;
	_ =	sdelay $0x1  }
0x5f: {  	v4 =	vadd.f32 v5, v4;
	v5 =	vmul.f32 v6, v1;
	_ =	sdelay $0x1  }
0x60: {  	v4 =	vadd.f32 v5, v4;
	v5 =	vmul.f32 v7, v3;
	_ =	sdelay $0x1  }
0x61: {  	v4 =	vadd.f32 v5, v4;
	_ =	sdelay $0x1  }
0x62: {  	[tilespmem:s0+$0xFFFFFF80] =	vst v4  }
0x63: {  	v4 =	vld [tilespmem:s4+$0xFFFFFE00]  }
0x64: {  	v5 =	vld [tilespmem:s4+$0xFFFFFE10];
	_ =	sdelay $0x1  }
0x65: {  	v6 =	vld [tilespmem:s4+$0xFFFFFE20];
	_ =	sdelay $0x1  }
0x66: {  	v7 =	vld [tilespmem:s4+$0xFFFFFE30]  }
0x67: {  	v4 =	vmul.f32 v4, v2;
	v5 =	vmul.f32 v5, v0;
	_ =	sdelay $0x1  }
0x68: {  	v6 =	vmul.f32 v6, v1;
	v4 =	vadd.f32 v5, v4;
	_ =	sdelay $0x1  }
0x69: {  	v5 =	vmul.f32 v7, v3;
	v4 =	vadd.f32 v6, v4;
	_ =	sdelay $0x1  }
0x6a: {  	v4 =	vadd.f32 v5, v4;
	_ =	sdelay $0x1  }
0x6b: {  	[tilespmem:s0+$0xFFFFFF90] =	vst v4  }
0x6c: {  	v4 =	vld [tilespmem:s4+$0xFFFFFE40]  }
0x6d: {  	v5 =	vld [tilespmem:s4+$0xFFFFFE50];
	_ =	sdelay $0x1  }
0x6e: {  	v6 =	vld [tilespmem:s4+$0xFFFFFE60];
	_ =	sdelay $0x1  }
0x6f: {  	v7 =	vld [tilespmem:s4+$0xFFFFFE70]  }
0x70: {  	v4 =	vmul.f32 v4, v2;
	v5 =	vmul.f32 v5, v0;
	_ =	sdelay $0x1  }
0x71: {  	v4 =	vadd.f32 v5, v4;
	v5 =	vmul.f32 v6, v1;
	_ =	sdelay $0x1  }
0x72: {  	v4 =	vadd.f32 v5, v4;
	v5 =	vmul.f32 v7, v3;
	_ =	sdelay $0x1  }
0x73: {  	v4 =	vadd.f32 v5, v4;
	_ =	sdelay $0x1  }
0x74: {  	[tilespmem:s0+$0xFFFFFFA0] =	vst v4  }
0x75: {  	v4 =	vld [tilespmem:s4+$0xFFFFFE80]  }
0x76: {  	v5 =	vld [tilespmem:s4+$0xFFFFFE90];
	_ =	sdelay $0x1  }
0x77: {  	v6 =	vld [tilespmem:s4+$0xFFFFFEA0];
	_ =	sdelay $0x1  }
0x78: {  	v7 =	vld [tilespmem:s4+$0xFFFFFEB0]  }
0x79: {  	v4 =	vmul.f32 v4, v2;
	v5 =	vmul.f32 v5, v0;
	_ =	sdelay $0x1  }
0x7a: {  	v6 =	vmul.f32 v6, v1;
	v4 =	vadd.f32 v5, v4;
	_ =	sdelay $0x1  }
0x7b: {  	v5 =	vmul.f32 v7, v3;
	v4 =	vadd.f32 v6, v4;
	_ =	sdelay $0x1  }
0x7c: {  	v4 =	vadd.f32 v5, v4;
	_ =	sdelay $0x1  }
0x7d: {  	[tilespmem:s0+$0xFFFFFFB0] =	vst v4  }
0x7e: {  	v4 =	vld [tilespmem:s4+$0xFFFFFEC0]  }
0x7f: {  	v5 =	vld [tilespmem:s4+$0xFFFFFED0];
	_ =	sdelay $0x1  }
0x80: {  	v6 =	vld [tilespmem:s4+$0xFFFFFEE0];
	_ =	sdelay $0x1  }
0x81: {  	v7 =	vld [tilespmem:s4+$0xFFFFFEF0]  }
0x82: {  	v4 =	vmul.f32 v4, v2;
	v5 =	vmul.f32 v5, v0;
	_ =	sdelay $0x1  }
0x83: {  	v6 =	vmul.f32 v6, v1;
	v4 =	vadd.f32 v5, v4;
	_ =	sdelay $0x1  }
0x84: {  	v5 =	vmul.f32 v7, v3;
	v4 =	vadd.f32 v6, v4;
	_ =	sdelay $0x1  }
0x85: {  	v4 =	vadd.f32 v5, v4;
	_ =	sdelay $0x1  }
0x86: {  	[tilespmem:s0+$0xFFFFFFC0] =	vst v4  }
0x87: {  	v4 =	vld [tilespmem:s4+$0xFFFFFF00]  }
0x88: {  	v5 =	vld [tilespmem:s4+$0xFFFFFF10];
	_ =	sdelay $0x1  }
0x89: {  	v6 =	vld [tilespmem:s4+$0xFFFFFF20];
	_ =	sdelay $0x1  }
0x8a: {  	v7 =	vld [tilespmem:s4+$0xFFFFFF30]  }
0x8b: {  	v4 =	vmul.f32 v4, v2;
	v5 =	vmul.f32 v5, v0;
	_ =	sdelay $0x1  }
0x8c: {  	v6 =	vmul.f32 v6, v1;
	v4 =	vadd.f32 v5, v4;
	_ =	sdelay $0x1  }
0x8d: {  	v5 =	vmul.f32 v7, v3;
	v4 =	vadd.f32 v6, v4;
	_ =	sdelay $0x1  }
0x8e: {  	v4 =	vadd.f32 v5, v4;
	_ =	sdelay $0x1  }
0x8f: {  	[tilespmem:s0+$0xFFFFFFD0] =	vst v4  }
0x90: {  	v4 =	vld [tilespmem:s4+$0xFFFFFF40]  }
0x91: {  	v5 =	vld [tilespmem:s4+$0xFFFFFF50];
	_ =	sdelay $0x1  }
0x92: {  	v6 =	vld [tilespmem:s4+$0xFFFFFF60];
	_ =	sdelay $0x1  }
0x93: {  	v7 =	vld [tilespmem:s4+$0xFFFFFF70]  }
0x94: {  	v4 =	vmul.f32 v4, v2;
	v5 =	vmul.f32 v5, v0;
	_ =	sdelay $0x1  }
0x95: {  	v6 =	vmul.f32 v6, v1;
	v4 =	vadd.f32 v5, v4;
	_ =	sdelay $0x1  }
0x96: {  	v5 =	vmul.f32 v7, v3;
	v4 =	vadd.f32 v6, v4;
	_ =	sdelay $0x1  }
0x97: {  	v4 =	vadd.f32 v5, v4;
	_ =	sdelay $0x1  }
0x98: {  	[tilespmem:s0+$0xFFFFFFE0] =	vst v4  }
0x99: {  	v4 =	vld [tilespmem:s4+$0xFFFFFF80]  }
0x9a: {  	v5 =	vld [tilespmem:s4+$0xFFFFFF90];
	_ =	sdelay $0x1  }
0x9b: {  	v6 =	vld [tilespmem:s4+$0xFFFFFFA0];
	_ =	sdelay $0x1  }
0x9c: {  	v7 =	vld [tilespmem:s4+$0xFFFFFFB0]  }
0x9d: {  	v4 =	vmul.f32 v4, v2;
	v5 =	vmul.f32 v5, v0;
	_ =	sdelay $0x1  }
0x9e: {  	v4 =	vadd.f32 v5, v4;
	v5 =	vmul.f32 v6, v1;
	_ =	sdelay $0x1  }
0x9f: {  	v6 =	vmul.f32 v7, v3;
	v4 =	vadd.f32 v5, v4;
	_ =	sdelay $0x1  }
0xa0: {  	v4 =	vadd.f32 v6, v4;
	_ =	sdelay $0x1  }
0xa1: {  	[tilespmem:s0+$0xFFFFFFF0] =	vst v4  }
0xa2: {  	v4 =	vld [tilespmem:s4+$0xFFFFFFC0]  }
0xa3: {  	v5 =	vld [tilespmem:s4+$0xFFFFFFD0];
	_ =	sdelay $0x1  }
0xa4: {  	v6 =	vld [tilespmem:s4+$0xFFFFFFE0];
	_ =	sdelay $0x1  }
0xa5: {  	v7 =	vld [tilespmem:s4+$0xFFFFFFF0]  }
0xa6: {  	v4 =	vmul.f32 v4, v2;
	v5 =	vmul.f32 v5, v0;
	_ =	sdelay $0x1  }
0xa7: {  	v6 =	vmul.f32 v6, v1;
	v4 =	vadd.f32 v5, v4;
	_ =	sdelay $0x1  }
0xa8: {  	v5 =	vmul.f32 v7, v3;
	v4 =	vadd.f32 v6, v4;
	_ =	sdelay $0x1  }
0xa9: {  	v4 =	vadd.f32 v5, v4;
	_ =	sdelay $0x1  }
0xaa: {  	[tilespmem:s0+$0x0] =	vst v4  }
0xab: {  	v4 =	vld [tilespmem:s4+$0x0]  }
0xac: {  	v5 =	vld [tilespmem:s4+$0x10];
	_ =	sdelay $0x1  }
0xad: {  	v6 =	vld [tilespmem:s4+$0x20];
	_ =	sdelay $0x1  }
0xae: {  	v7 =	vld [tilespmem:s4+$0x30]  }
0xaf: {  	v4 =	vmul.f32 v4, v2;
	v5 =	vmul.f32 v5, v0;
	_ =	sdelay $0x1  }
0xb0: {  	v6 =	vmul.f32 v6, v1;
	v4 =	vadd.f32 v5, v4;
	_ =	sdelay $0x1  }
0xb1: {  	v5 =	vmul.f32 v7, v3;
	v4 =	vadd.f32 v6, v4;
	_ =	sdelay $0x1  }
0xb2: {  	v4 =	vadd.f32 v5, v4;
	_ =	sdelay $0x1  }
0xb3: {  	[tilespmem:s0+$0x10] =	vst v4  }
0xb4: {  	v4 =	vld [tilespmem:s4+$0x40]  }
0xb5: {  	v5 =	vld [tilespmem:s4+$0x50];
	_ =	sdelay $0x1  }
0xb6: {  	v6 =	vld [tilespmem:s4+$0x60];
	_ =	sdelay $0x1  }
0xb7: {  	v7 =	vld [tilespmem:s4+$0x70]  }
0xb8: {  	v4 =	vmul.f32 v4, v2;
	v5 =	vmul.f32 v5, v0;
	_ =	sdelay $0x1  }
0xb9: {  	v6 =	vmul.f32 v6, v1;
	v4 =	vadd.f32 v5, v4;
	_ =	sdelay $0x1  }
0xba: {  	v5 =	vmul.f32 v7, v3;
	v4 =	vadd.f32 v6, v4;
	_ =	sdelay $0x1  }
0xbb: {  	v4 =	vadd.f32 v5, v4;
	_ =	sdelay $0x1  }
0xbc: {  	[tilespmem:s0+$0x20] =	vst v4  }
0xbd: {  	v4 =	vld [tilespmem:s4+$0x80]  }
0xbe: {  	v5 =	vld [tilespmem:s4+$0x90];
	_ =	sdelay $0x1  }
0xbf: {  	v6 =	vld [tilespmem:s4+$0xA0];
	_ =	sdelay $0x1  }
0xc0: {  	v7 =	vld [tilespmem:s4+$0xB0]  }
0xc1: {  	v4 =	vmul.f32 v4, v2;
	v5 =	vmul.f32 v5, v0;
	_ =	sdelay $0x1  }
0xc2: {  	v4 =	vadd.f32 v5, v4;
	v5 =	vmul.f32 v6, v1;
	_ =	sdelay $0x1  }
0xc3: {  	v6 =	vmul.f32 v7, v3;
	v4 =	vadd.f32 v5, v4;
	_ =	sdelay $0x1  }
0xc4: {  	v4 =	vadd.f32 v6, v4;
	_ =	sdelay $0x1  }
0xc5: {  	[tilespmem:s0+$0x30] =	vst v4  }
0xc6: {  	v4 =	vld [tilespmem:s4+$0xC0]  }
0xc7: {  	v5 =	vld [tilespmem:s4+$0xD0];
	_ =	sdelay $0x1  }
0xc8: {  	v6 =	vld [tilespmem:s4+$0xE0];
	_ =	sdelay $0x1  }
0xc9: {  	v7 =	vld [tilespmem:s4+$0xF0]  }
0xca: {  	v4 =	vmul.f32 v4, v2;
	v5 =	vmul.f32 v5, v0;
	_ =	sdelay $0x1  }
0xcb: {  	v4 =	vadd.f32 v5, v4;
	v5 =	vmul.f32 v6, v1;
	_ =	sdelay $0x1  }
0xcc: {  	v4 =	vadd.f32 v5, v4;
	v5 =	vmul.f32 v7, v3;
	_ =	sdelay $0x1  }
0xcd: {  	v4 =	vadd.f32 v5, v4;
	_ =	sdelay $0x1  }
0xce: {  	[tilespmem:s0+$0x40] =	vst v4  }
0xcf: {  	v4 =	vld [tilespmem:s4+$0x100]  }
0xd0: {  	v5 =	vld [tilespmem:s4+$0x110];
	_ =	sdelay $0x1  }
0xd1: {  	v6 =	vld [tilespmem:s4+$0x120];
	_ =	sdelay $0x1  }
0xd2: {  	v7 =	vld [tilespmem:s4+$0x130]  }
0xd3: {  	v4 =	vmul.f32 v4, v2;
	v5 =	vmul.f32 v5, v0;
	_ =	sdelay $0x1  }
0xd4: {  	v6 =	vmul.f32 v6, v1;
	v4 =	vadd.f32 v5, v4;
	_ =	sdelay $0x1  }
0xd5: {  	v5 =	vmul.f32 v7, v3;
	v4 =	vadd.f32 v6, v4;
	_ =	sdelay $0x1  }
0xd6: {  	v4 =	vadd.f32 v5, v4;
	_ =	sdelay $0x1  }
0xd7: {  	[tilespmem:s0+$0x50] =	vst v4  }
0xd8: {  	v4 =	vld [tilespmem:s4+$0x140]  }
0xd9: {  	v5 =	vld [tilespmem:s4+$0x150];
	_ =	sdelay $0x1  }
0xda: {  	v6 =	vld [tilespmem:s4+$0x160];
	_ =	sdelay $0x1  }
0xdb: {  	v7 =	vld [tilespmem:s4+$0x170]  }
0xdc: {  	v4 =	vmul.f32 v4, v2;
	v5 =	vmul.f32 v5, v0;
	_ =	sdelay $0x1  }
0xdd: {  	v6 =	vmul.f32 v6, v1;
	v4 =	vadd.f32 v5, v4;
	_ =	sdelay $0x1  }
0xde: {  	v5 =	vmul.f32 v7, v3;
	v4 =	vadd.f32 v6, v4;
	_ =	sdelay $0x1  }
0xdf: {  	v4 =	vadd.f32 v5, v4;
	_ =	sdelay $0x1  }
0xe0: {  	[tilespmem:s0+$0x60] =	vst v4  }
0xe1: {  	v4 =	vld [tilespmem:s4+$0x180]  }
0xe2: {  	v5 =	vld [tilespmem:s4+$0x190];
	_ =	sdelay $0x1  }
0xe3: {  	v6 =	vld [tilespmem:s4+$0x1A0];
	_ =	sdelay $0x1  }
0xe4: {  	v7 =	vld [tilespmem:s4+$0x1B0]  }
0xe5: {  	v4 =	vmul.f32 v4, v2;
	v5 =	vmul.f32 v5, v0;
	_ =	sdelay $0x1  }
0xe6: {  	v6 =	vmul.f32 v6, v1;
	v4 =	vadd.f32 v5, v4;
	_ =	sdelay $0x1  }
0xe7: {  	v5 =	vmul.f32 v7, v3;
	v4 =	vadd.f32 v6, v4;
	_ =	sdelay $0x1  }
0xe8: {  	v4 =	vadd.f32 v5, v4;
	_ =	sdelay $0x1  }
0xe9: {  	[tilespmem:s0+$0x70] =	vst v4  }
0xea: {  	v4 =	vld [tilespmem:s4+$0x1C0]  }
0xeb: {  	v5 =	vld [tilespmem:s4+$0x1D0];
	_ =	sdelay $0x1  }
0xec: {  	v6 =	vld [tilespmem:s4+$0x1E0];
	_ =	sdelay $0x1  }
0xed: {  	v7 =	vld [tilespmem:s4+$0x1F0]  }
0xee: {  	v4 =	vmul.f32 v4, v2;
	v5 =	vmul.f32 v5, v0;
	_ =	sdelay $0x1  }
0xef: {  	v6 =	vmul.f32 v6, v1;
	v4 =	vadd.f32 v5, v4;
	_ =	sdelay $0x1  }
0xf0: {  	v5 =	vmul.f32 v7, v3;
	v4 =	vadd.f32 v6, v4;
	_ =	sdelay $0x1  }
0xf1: {  	v4 =	vadd.f32 v5, v4;
	_ =	sdelay $0x1  }
0xf2: {  	[tilespmem:s0+$0x80] =	vst v4  }
0xf3: {  	v7 =	vld [tilespmem:s4+$0x200]  }
0xf4: {  	v6 =	vld [tilespmem:s4+$0x210]  }
0xf5: {  	v5 =	vld [tilespmem:s4+$0x220]  }
0xf6: {  	v4 =	vld [tilespmem:s4+$0x230];
	_ =	sdelay $0x1  }
0xf7: {  	s29 =	simm.s32 $0x1540;
	s1 =	simm.s32 $0x100;
	s10 =	simm.s32 $0xB360;
	v7 =	vmul.f32 v7, v2  }
.LBB2_3:
0xf8: {  	p0 =	sne.s32 s1, $0x1F00;
	v6 =	vmul.f32 v6, v0;
	s4 =	sadd.s32 $0x500, s4;
	s0 =	sadd.s32 $0x150, s0  }
0xf9: {  	s2 =	smov.u32 s1;
	s1 =	sadd.s32 $0x100, s1;
	v5 =	vmul.f32 v5, v1  }
0xfa: {  	v6 =	vadd.f32 v6, v7;
	v4 =	vmul.f32 v4, v3;
	_ =	sdelay $0x1  }
0xfb: {  	v5 =	vadd.f32 v5, v6;
	_ =	sdelay $0x1  }
0xfc: {  	v4 =	vadd.f32 v4, v5;
	_ =	sdelay $0x1  }
0xfd: {  	[tilespmem:s10+$0x90] =	vst v4  }
0xfe: {  	v4 =	vld [tilespmem:s29+$0x240]  }
0xff: {  	v5 =	vld [tilespmem:s29+$0x250]  }
0x100: {  	v6 =	vld [tilespmem:s29+$0x260]  }
0x101: {  	v7 =	vld [tilespmem:s29+$0x270];
	s29 =	smov.u32 s4;
	_ =	sdelay $0x1  }
0x102: {  	v2 =	vmul.f32 v4, v2  }
0x103: {  	v0 =	vmul.f32 v5, v0  }
0x104: {  	v1 =	vmul.f32 v6, v1  }
0x105: {  	v0 =	vadd.f32 v0, v2;
	v2 =	vmul.f32 v7, v3;
	_ =	sdelay $0x1  }
0x106: {  	v0 =	vadd.f32 v1, v0;
	_ =	sdelay $0x1  }
0x107: {  	v0 =	vadd.f32 v2, v0;
	_ =	sdelay $0x1  }
0x108: {  	s2 =	sshra.s32 s2, $0x2;
	[tilespmem:s10+$0xA0] =	vst v0;
	s10 =	smov.u32 s0  }
0x109: {  	v4 =	vld [tilespmem:s2+$0xAC0]  }
0x10a: {  	v0 =	vld [tilespmem:s2+$0x2D0]  }
0x10b: {  	v5 =	vld [tilespmem:s2+$0xAD0]  }
0x10c: {  	v2 =	vld [tilespmem:s2+$0x2C0]  }
0x10d: {  	v6 =	vld [tilespmem:s2+$0xAE0]  }
0x10e: {  	v1 =	vld [tilespmem:s2+$0x2E0]  }
0x10f: {  	v7 =	vld [tilespmem:s2+$0xAF0]  }
0x110: {  	v3 =	vld [tilespmem:s2+$0x2F0]  }
0x111: {  	v5 =	vmul.f32 v5, v0;
	v4 =	vmul.f32 v4, v2;
	_ =	sdelay $0x1  }
0x112: {  	v4 =	vadd.f32 v5, v4;
	v5 =	vmul.f32 v6, v1;
	_ =	sdelay $0x1  }
0x113: {  	v4 =	vadd.f32 v5, v4;
	v5 =	vmul.f32 v7, v3;
	_ =	sdelay $0x1  }
0x114: {  	v4 =	vadd.f32 v5, v4;
	_ =	sdelay $0x1  }
0x115: {  	[tilespmem:s0+$0xFFFFFF60] =	vst v4  }
0x116: {  	v4 =	vld [tilespmem:s4+$0xFFFFFD80]  }
0x117: {  	v5 =	vld [tilespmem:s4+$0xFFFFFD90];
	_ =	sdelay $0x1  }
0x118: {  	v6 =	vld [tilespmem:s4+$0xFFFFFDA0];
	_ =	sdelay $0x1  }
0x119: {  	v4 =	vmul.f32 v4, v2;
	v7 =	vld [tilespmem:s4+$0xFFFFFDB0]  }
0x11a: {  	v5 =	vmul.f32 v5, v0;
	_ =	sdelay $0x1  }
0x11b: {  	v4 =	vadd.f32 v5, v4;
	v5 =	vmul.f32 v6, v1;
	_ =	sdelay $0x1  }
0x11c: {  	v4 =	vadd.f32 v5, v4;
	v5 =	vmul.f32 v7, v3;
	_ =	sdelay $0x1  }
0x11d: {  	v4 =	vadd.f32 v5, v4;
	_ =	sdelay $0x1  }
0x11e: {  	[tilespmem:s0+$0xFFFFFF70] =	vst v4  }
0x11f: {  	v4 =	vld [tilespmem:s4+$0xFFFFFDC0]  }
0x120: {  	v5 =	vld [tilespmem:s4+$0xFFFFFDD0];
	_ =	sdelay $0x1  }
0x121: {  	v6 =	vld [tilespmem:s4+$0xFFFFFDE0];
	_ =	sdelay $0x1  }
0x122: {  	v4 =	vmul.f32 v4, v2;
	v7 =	vld [tilespmem:s4+$0xFFFFFDF0]  }
0x123: {  	v5 =	vmul.f32 v5, v0;
	_ =	sdelay $0x1  }
0x124: {  	v4 =	vadd.f32 v5, v4;
	v5 =	vmul.f32 v6, v1;
	_ =	sdelay $0x1  }
0x125: {  	v4 =	vadd.f32 v5, v4;
	v5 =	vmul.f32 v7, v3;
	_ =	sdelay $0x1  }
0x126: {  	v4 =	vadd.f32 v5, v4;
	_ =	sdelay $0x1  }
0x127: {  	[tilespmem:s0+$0xFFFFFF80] =	vst v4  }
0x128: {  	v4 =	vld [tilespmem:s4+$0xFFFFFE00]  }
0x129: {  	v5 =	vld [tilespmem:s4+$0xFFFFFE10]  }
0x12a: {  	v6 =	vld [tilespmem:s4+$0xFFFFFE20]  }
0x12b: {  	v7 =	vld [tilespmem:s4+$0xFFFFFE30];
	_ =	sdelay $0x1  }
0x12c: {  	v4 =	vmul.f32 v4, v2  }
0x12d: {  	v5 =	vmul.f32 v5, v0  }
0x12e: {  	v6 =	vmul.f32 v6, v1  }
0x12f: {  	v4 =	vadd.f32 v5, v4;
	v5 =	vmul.f32 v7, v3;
	_ =	sdelay $0x1  }
0x130: {  	v4 =	vadd.f32 v6, v4;
	_ =	sdelay $0x1  }
0x131: {  	v4 =	vadd.f32 v5, v4;
	_ =	sdelay $0x1  }
0x132: {  	[tilespmem:s0+$0xFFFFFF90] =	vst v4  }
0x133: {  	v4 =	vld [tilespmem:s4+$0xFFFFFE40]  }
0x134: {  	v5 =	vld [tilespmem:s4+$0xFFFFFE50];
	_ =	sdelay $0x1  }
0x135: {  	v6 =	vld [tilespmem:s4+$0xFFFFFE60];
	_ =	sdelay $0x1  }
0x136: {  	v4 =	vmul.f32 v4, v2;
	v7 =	vld [tilespmem:s4+$0xFFFFFE70]  }
0x137: {  	v5 =	vmul.f32 v5, v0;
	_ =	sdelay $0x1  }
0x138: {  	v4 =	vadd.f32 v5, v4;
	v5 =	vmul.f32 v6, v1;
	_ =	sdelay $0x1  }
0x139: {  	v4 =	vadd.f32 v5, v4;
	v5 =	vmul.f32 v7, v3;
	_ =	sdelay $0x1  }
0x13a: {  	v4 =	vadd.f32 v5, v4;
	_ =	sdelay $0x1  }
0x13b: {  	[tilespmem:s0+$0xFFFFFFA0] =	vst v4  }
0x13c: {  	v4 =	vld [tilespmem:s4+$0xFFFFFE80]  }
0x13d: {  	v5 =	vld [tilespmem:s4+$0xFFFFFE90]  }
0x13e: {  	v6 =	vld [tilespmem:s4+$0xFFFFFEA0]  }
0x13f: {  	v7 =	vld [tilespmem:s4+$0xFFFFFEB0];
	_ =	sdelay $0x1  }
0x140: {  	v4 =	vmul.f32 v4, v2  }
0x141: {  	v5 =	vmul.f32 v5, v0  }
0x142: {  	v6 =	vmul.f32 v6, v1  }
0x143: {  	v4 =	vadd.f32 v5, v4;
	v5 =	vmul.f32 v7, v3;
	_ =	sdelay $0x1  }
0x144: {  	v4 =	vadd.f32 v6, v4;
	_ =	sdelay $0x1  }
0x145: {  	v4 =	vadd.f32 v5, v4;
	_ =	sdelay $0x1  }
0x146: {  	[tilespmem:s0+$0xFFFFFFB0] =	vst v4  }
0x147: {  	v4 =	vld [tilespmem:s4+$0xFFFFFEC0]  }
0x148: {  	v5 =	vld [tilespmem:s4+$0xFFFFFED0]  }
0x149: {  	v6 =	vld [tilespmem:s4+$0xFFFFFEE0]  }
0x14a: {  	v7 =	vld [tilespmem:s4+$0xFFFFFEF0];
	_ =	sdelay $0x1  }
0x14b: {  	v4 =	vmul.f32 v4, v2  }
0x14c: {  	v5 =	vmul.f32 v5, v0  }
0x14d: {  	v6 =	vmul.f32 v6, v1  }
0x14e: {  	v4 =	vadd.f32 v5, v4;
	v5 =	vmul.f32 v7, v3;
	_ =	sdelay $0x1  }
0x14f: {  	v4 =	vadd.f32 v6, v4;
	_ =	sdelay $0x1  }
0x150: {  	v4 =	vadd.f32 v5, v4;
	_ =	sdelay $0x1  }
0x151: {  	[tilespmem:s0+$0xFFFFFFC0] =	vst v4  }
0x152: {  	v4 =	vld [tilespmem:s4+$0xFFFFFF00]  }
0x153: {  	v5 =	vld [tilespmem:s4+$0xFFFFFF10]  }
0x154: {  	v6 =	vld [tilespmem:s4+$0xFFFFFF20]  }
0x155: {  	v7 =	vld [tilespmem:s4+$0xFFFFFF30];
	_ =	sdelay $0x1  }
0x156: {  	v4 =	vmul.f32 v4, v2  }
0x157: {  	v5 =	vmul.f32 v5, v0  }
0x158: {  	v6 =	vmul.f32 v6, v1  }
0x159: {  	v4 =	vadd.f32 v5, v4;
	v5 =	vmul.f32 v7, v3;
	_ =	sdelay $0x1  }
0x15a: {  	v4 =	vadd.f32 v6, v4;
	_ =	sdelay $0x1  }
0x15b: {  	v4 =	vadd.f32 v5, v4;
	_ =	sdelay $0x1  }
0x15c: {  	[tilespmem:s0+$0xFFFFFFD0] =	vst v4  }
0x15d: {  	v4 =	vld [tilespmem:s4+$0xFFFFFF40]  }
0x15e: {  	v5 =	vld [tilespmem:s4+$0xFFFFFF50]  }
0x15f: {  	v6 =	vld [tilespmem:s4+$0xFFFFFF60]  }
0x160: {  	v7 =	vld [tilespmem:s4+$0xFFFFFF70];
	_ =	sdelay $0x1  }
0x161: {  	v4 =	vmul.f32 v4, v2  }
0x162: {  	v5 =	vmul.f32 v5, v0  }
0x163: {  	v6 =	vmul.f32 v6, v1  }
0x164: {  	v4 =	vadd.f32 v5, v4;
	v5 =	vmul.f32 v7, v3;
	_ =	sdelay $0x1  }
0x165: {  	v4 =	vadd.f32 v6, v4;
	_ =	sdelay $0x1  }
0x166: {  	v4 =	vadd.f32 v5, v4;
	_ =	sdelay $0x1  }
0x167: {  	[tilespmem:s0+$0xFFFFFFE0] =	vst v4  }
0x168: {  	v4 =	vld [tilespmem:s4+$0xFFFFFF80]  }
0x169: {  	v5 =	vld [tilespmem:s4+$0xFFFFFF90]  }
0x16a: {  	v6 =	vld [tilespmem:s4+$0xFFFFFFB0]  }
0x16b: {  	v7 =	vld [tilespmem:s4+$0xFFFFFFA0];
	_ =	sdelay $0x1  }
0x16c: {  	v4 =	vmul.f32 v4, v2  }
0x16d: {  	v5 =	vmul.f32 v5, v0  }
0x16e: {  	v6 =	vmul.f32 v6, v3  }
0x16f: {  	v4 =	vadd.f32 v5, v4;
	v5 =	vmul.f32 v7, v1;
	_ =	sdelay $0x1  }
0x170: {  	v4 =	vadd.f32 v5, v4;
	_ =	sdelay $0x1  }
0x171: {  	v4 =	vadd.f32 v6, v4;
	_ =	sdelay $0x1  }
0x172: {  	[tilespmem:s0+$0xFFFFFFF0] =	vst v4  }
0x173: {  	v4 =	vld [tilespmem:s4+$0xFFFFFFC0]  }
0x174: {  	v5 =	vld [tilespmem:s4+$0xFFFFFFD0]  }
0x175: {  	v6 =	vld [tilespmem:s4+$0xFFFFFFE0]  }
0x176: {  	v7 =	vld [tilespmem:s4+$0xFFFFFFF0];
	_ =	sdelay $0x1  }
0x177: {  	v4 =	vmul.f32 v4, v2  }
0x178: {  	v5 =	vmul.f32 v5, v0  }
0x179: {  	v6 =	vmul.f32 v6, v1  }
0x17a: {  	v4 =	vadd.f32 v5, v4;
	v5 =	vmul.f32 v7, v3;
	_ =	sdelay $0x1  }
0x17b: {  	v4 =	vadd.f32 v6, v4;
	_ =	sdelay $0x1  }
0x17c: {  	v4 =	vadd.f32 v5, v4;
	_ =	sdelay $0x1  }
0x17d: {  	[tilespmem:s0+$0x0] =	vst v4  }
0x17e: {  	v4 =	vld [tilespmem:s4+$0x0]  }
0x17f: {  	v5 =	vld [tilespmem:s4+$0x10]  }
0x180: {  	v6 =	vld [tilespmem:s4+$0x20]  }
0x181: {  	v7 =	vld [tilespmem:s4+$0x30];
	_ =	sdelay $0x1  }
0x182: {  	v4 =	vmul.f32 v4, v2  }
0x183: {  	v5 =	vmul.f32 v5, v0  }
0x184: {  	v6 =	vmul.f32 v6, v1  }
0x185: {  	v4 =	vadd.f32 v5, v4;
	v5 =	vmul.f32 v7, v3;
	_ =	sdelay $0x1  }
0x186: {  	v4 =	vadd.f32 v6, v4;
	_ =	sdelay $0x1  }
0x187: {  	v4 =	vadd.f32 v5, v4;
	_ =	sdelay $0x1  }
0x188: {  	[tilespmem:s0+$0x10] =	vst v4  }
0x189: {  	v4 =	vld [tilespmem:s4+$0x40]  }
0x18a: {  	v5 =	vld [tilespmem:s4+$0x50]  }
0x18b: {  	v6 =	vld [tilespmem:s4+$0x60]  }
0x18c: {  	v7 =	vld [tilespmem:s4+$0x70];
	_ =	sdelay $0x1  }
0x18d: {  	v4 =	vmul.f32 v4, v2  }
0x18e: {  	v5 =	vmul.f32 v5, v0  }
0x18f: {  	v6 =	vmul.f32 v6, v1  }
0x190: {  	v4 =	vadd.f32 v5, v4;
	v5 =	vmul.f32 v7, v3;
	_ =	sdelay $0x1  }
0x191: {  	v4 =	vadd.f32 v6, v4;
	_ =	sdelay $0x1  }
0x192: {  	v4 =	vadd.f32 v5, v4;
	_ =	sdelay $0x1  }
0x193: {  	[tilespmem:s0+$0x20] =	vst v4  }
0x194: {  	v4 =	vld [tilespmem:s4+$0x80]  }
0x195: {  	v5 =	vld [tilespmem:s4+$0x90]  }
0x196: {  	v6 =	vld [tilespmem:s4+$0xA0]  }
0x197: {  	v7 =	vld [tilespmem:s4+$0xB0];
	_ =	sdelay $0x1  }
0x198: {  	v4 =	vmul.f32 v4, v2  }
0x199: {  	v5 =	vmul.f32 v5, v0;
	_ =	sdelay $0x1  }
0x19a: {  	v4 =	vadd.f32 v5, v4;
	v5 =	vmul.f32 v6, v1;
	v6 =	vmul.f32 v7, v3;
	_ =	sdelay $0x1  }
0x19b: {  	v4 =	vadd.f32 v5, v4;
	_ =	sdelay $0x1  }
0x19c: {  	v4 =	vadd.f32 v6, v4;
	_ =	sdelay $0x1  }
0x19d: {  	[tilespmem:s0+$0x30] =	vst v4  }
0x19e: {  	v4 =	vld [tilespmem:s4+$0xC0]  }
0x19f: {  	v5 =	vld [tilespmem:s4+$0xD0]  }
0x1a0: {  	v6 =	vld [tilespmem:s4+$0xF0]  }
0x1a1: {  	v7 =	vld [tilespmem:s4+$0xE0];
	_ =	sdelay $0x1  }
0x1a2: {  	v4 =	vmul.f32 v4, v2  }
0x1a3: {  	v5 =	vmul.f32 v5, v0;
	_ =	sdelay $0x1  }
0x1a4: {  	v4 =	vadd.f32 v5, v4;
	v5 =	vmul.f32 v7, v1;
	_ =	sdelay $0x1  }
0x1a5: {  	v4 =	vadd.f32 v5, v4;
	v5 =	vmul.f32 v6, v3;
	_ =	sdelay $0x1  }
0x1a6: {  	v4 =	vadd.f32 v5, v4;
	_ =	sdelay $0x1  }
0x1a7: {  	[tilespmem:s0+$0x40] =	vst v4  }
0x1a8: {  	v4 =	vld [tilespmem:s4+$0x100]  }
0x1a9: {  	v5 =	vld [tilespmem:s4+$0x110]  }
0x1aa: {  	v6 =	vld [tilespmem:s4+$0x120]  }
0x1ab: {  	v7 =	vld [tilespmem:s4+$0x130];
	_ =	sdelay $0x1  }
0x1ac: {  	v4 =	vmul.f32 v4, v2  }
0x1ad: {  	v5 =	vmul.f32 v5, v0  }
0x1ae: {  	v6 =	vmul.f32 v6, v1  }
0x1af: {  	v4 =	vadd.f32 v5, v4;
	v5 =	vmul.f32 v7, v3;
	_ =	sdelay $0x1  }
0x1b0: {  	v4 =	vadd.f32 v6, v4;
	_ =	sdelay $0x1  }
0x1b1: {  	v4 =	vadd.f32 v5, v4;
	_ =	sdelay $0x1  }
0x1b2: {  	[tilespmem:s0+$0x50] =	vst v4  }
0x1b3: {  	v4 =	vld [tilespmem:s4+$0x140]  }
0x1b4: {  	v5 =	vld [tilespmem:s4+$0x150]  }
0x1b5: {  	v6 =	vld [tilespmem:s4+$0x160]  }
0x1b6: {  	v7 =	vld [tilespmem:s4+$0x170];
	_ =	sdelay $0x1  }
0x1b7: {  	v4 =	vmul.f32 v4, v2  }
0x1b8: {  	v5 =	vmul.f32 v5, v0  }
0x1b9: {  	v6 =	vmul.f32 v6, v1  }
0x1ba: {  	v4 =	vadd.f32 v5, v4;
	v5 =	vmul.f32 v7, v3;
	_ =	sdelay $0x1  }
0x1bb: {  	v4 =	vadd.f32 v6, v4;
	_ =	sdelay $0x1  }
0x1bc: {  	v4 =	vadd.f32 v5, v4;
	_ =	sdelay $0x1  }
0x1bd: {  	[tilespmem:s0+$0x60] =	vst v4  }
0x1be: {  	v4 =	vld [tilespmem:s4+$0x180]  }
0x1bf: {  	v5 =	vld [tilespmem:s4+$0x190]  }
0x1c0: {  	v6 =	vld [tilespmem:s4+$0x1A0]  }
0x1c1: {  	v7 =	vld [tilespmem:s4+$0x1B0];
	_ =	sdelay $0x1  }
0x1c2: {  	v4 =	vmul.f32 v4, v2  }
0x1c3: {  	v5 =	vmul.f32 v5, v0  }
0x1c4: {  	v6 =	vmul.f32 v6, v1  }
0x1c5: {  	v4 =	vadd.f32 v5, v4;
	v5 =	vmul.f32 v7, v3;
	_ =	sdelay $0x1  }
0x1c6: {  	v4 =	vadd.f32 v6, v4;
	_ =	sdelay $0x1  }
0x1c7: {  	v4 =	vadd.f32 v5, v4;
	_ =	sdelay $0x1  }
0x1c8: {  	[tilespmem:s0+$0x70] =	vst v4  }
0x1c9: {  	v4 =	vld [tilespmem:s4+$0x1C0]  }
0x1ca: {  	v5 =	vld [tilespmem:s4+$0x1D0]  }
0x1cb: {  	v6 =	vld [tilespmem:s4+$0x1E0]  }
0x1cc: {  	v7 =	vld [tilespmem:s4+$0x1F0];
	_ =	sdelay $0x1  }
0x1cd: {  	v4 =	vmul.f32 v4, v2  }
0x1ce: {  	v5 =	vmul.f32 v5, v0  }
0x1cf: {  	v6 =	vmul.f32 v6, v1  }
0x1d0: {  	v4 =	vadd.f32 v5, v4;
	v5 =	vmul.f32 v7, v3;
	_ =	sdelay $0x1  }
0x1d1: {  	v4 =	vadd.f32 v6, v4;
	_ =	sdelay $0x1  }
0x1d2: {  	v4 =	vadd.f32 v5, v4;
	_ =	sdelay $0x1  }
0x1d3: {  	[tilespmem:s0+$0x80] =	vst v4  }
0x1d4: {  	v7 =	vld [tilespmem:s4+$0x200]  }
.Ltmp0:
0x1d5: {  	v6 =	vld [tilespmem:s4+$0x210];
	(pc) =	sbr.rel @p0 .LBB2_3-.Ltmp0, $3  }
0x1d6: {  	v5 =	vld [tilespmem:s4+$0x220]  }
0x1d7: {  	v4 =	vld [tilespmem:s4+$0x230];
	_ =	sdelay $0x1  }
0x1d8: {  	v7 =	vmul.f32 v7, v2  }
0x1d9: {  	v6 =	vmul.f32 v6, v0;
	_ =	sdelay $0x1  }
0x1da: {  	v5 =	vmul.f32 v5, v1;
	v6 =	vadd.f32 v6, v7;
	_ =	sdelay $0x1  }
0x1db: {  	v4 =	vmul.f32 v4, v3;
	v5 =	vadd.f32 v5, v6;
	_ =	sdelay $0x1  }
0x1dc: {  	v4 =	vadd.f32 v4, v5;
	_ =	sdelay $0x1  }
0x1dd: {  	[tilespmem:s10+$0x90] =	vst v4  }
0x1de: {  	v4 =	vld [tilespmem:s29+$0x240]  }
0x1df: {  	v58 =	vld [tilespmem:s29+$0x250];
	_ =	sdelay $0x1  }
0x1e0: {  	v59 =	vld [tilespmem:s29+$0x260];
	_ =	sdelay $0x1  }
0x1e1: {  	v60 =	vld [tilespmem:s29+$0x270]  }
0x1e2: {  	v2 =	vmul.f32 v4, v2;
	v61 =	vmul.f32 v58, v0;
	_ =	sdelay $0x1  }
0x1e3: {  	v62 =	vmul.f32 v59, v1;
	v0 =	vadd.f32 v61, v2;
	_ =	sdelay $0x1  }
0x1e4: {  	v63 =	vmul.f32 v60, v3;
	v0 =	vadd.f32 v62, v0;
	_ =	sdelay $0x1  }
0x1e5: {  	s0 =	smul.u32 $0x2A, s31;
	s30 =	sadd.s32 $0x1, s30;
	v0 =	vadd.f32 v63, v0  }
0x1e6: {  	p0 =	sne.s32 s30, $0x10  }
.Ltmp1:
0x1e7: {  	s0 =	sadd.s32 s8, s0;
	[tilespmem:s10+$0xA0] =	vst v0;
	(pc) =	sbr.rel @p0 .LBB2_2-.Ltmp1, $4  }
0x1e8: {  	[hbm4b:s0+s3] =	stream.linear.scatter [tilespmem:s26], [sflag:$0x2], $0x2A00, $0x38;
	[tilespmem:$0xDCC0] =	vst v63  }
0x1e9: {  	_ =	swait.ge [sflag:s28], $0x2A00  }
0x1ea: {  	[sflag:s28] =	ssyncset.done $0x0  }
0x1eb: {  	[sflag:s28] =	ssyncadd.s32 $0xFFFFD600  }
0x1ec: {  	s1 =	rddreg [dreg:$0x5]  }
0x1ed: {  	s0 =	rddreg [dreg:$0x4];
	s1 =	sadd.s32 $0x1, s1  }
0x1ee: {  	p0 =	sne.s32 s1, s0  }
.Ltmp2:
0x1ef: {  	_ = 	snop;
	(pc) =	sbr.rel @p0 .LBB2_1-.Ltmp2, $1  }
0x1f0: {  	_ =	sdelay $0x3  }
0x1f1: {  	_ =	sfence.sel $0x180000  }
0x1f2: {  	[bflag:$0x0] =	sbarrier.arrive $0xFFFF  }
0x1f3: {  	_ =	strace $0x90000047  }
0x1f4: {  	s0 =	stileid.u32;
	[bflag:$0x2] =	sbarrier.arrive $0xFFFF  }
0x1f5: {  	p0 =	sne.s32 s0, $0x0;
	s0 =	rddreg [dreg:$0x3]  }
0x1f6: {  	s0 =	sadd.s32 @!p0 $0x100000, s0  }
0x1f7: {  	[sflag:s0] =	ssyncadd.tile.s32 @!p0 $0x1;
	_ =	shalt  }
.Lfunc_end2:
_tile_overlayer_lowered:
.L_overlay_start_2:
0x1f8: {  	(tag) =	ssettag $0x2  }
0x1f9: {  	s0 =	rddreg [dreg:$0x0];
	s2 =	stileid.u32  }
0x1fa: {  	s1 =	rddreg [dreg:$0x1];
	p0 =	sne.s32 s2, $0x0  }
0x1fb: {  	s3 =	rddreg [dreg:$0x2];
	[bflag:$0x3] =	sbarrier.arrive $0xFFFF;
	s2 =	simm.s32 @!p0 $0x1C02  }
0x1fc: {  	[timem:s3], [sflag:s2] =	dma.local @!p0 [hbm:s0], s1  }
0x1fd: {  	s0 =	simm.s32 @!p0 $0x2  }
0x1fe: {  	_ =	swait.ge @!p0 [sflag:s0], s1  }
0x1ff: {  	s1 =	ssub.s32 @!p0 $0x0, s1;
	[sflag:s0] =	ssyncset.done @!p0 $0x0  }
0x200: {  	[sflag:s0] =	ssyncadd.s32 @!p0 s1  }
0x201: {  	[bflag:$0x3] =	sbarrier.arrive $0xFFFF  }
0x202: {  	_ =	shalt  }

</sc_bundles>
